<compile_context>
chip_gen: v7x
topology: tpu7x:2x2x1
jax: 0.10.2.dev20260603
libtpu: 0.0.44.dev20260713+nightly
codegen_flags: <defaults>
</compile_context>

<pallas_src>
import jax
import jax.numpy as jnp
from jax import lax
from jax.experimental import pallas as pl
from jax.experimental.pallas import tpu as pltpu
from jax.experimental.pallas import tpu_sc as plsc

H = 128
AUG = 144
N = 10000
NPAD = 10112
E = 300000
B_OUT = 4096
NTILES = 16
CHUNK = 128
KB = 21
NBLK = 7
CHUNKS = NBLK * KB
EPAD = NTILES * CHUNKS * CHUNK
RPT = NPAD // NTILES
NW = 32
BPW = B_OUT // NW
ROWBLK = 512
EPS = 1e-5

_f32 = jnp.float32



def _edge_body(tab_d, tab_c, src_dc, dst_dc, src_cd, dst_cd, zrows,
               agg_c, agg_d, acc, src_v, dst_v, rows_v, sem):
    c = lax.axis_index("c")
    s = lax.axis_index("s")

    def run(tab, src_h, dst_h, out_h):
        pltpu.sync_copy(zrows, acc.at[pl.ds(s * RPT, RPT)])
        plsc.subcore_barrier()

        def blk(b, carry):
            pltpu.sync_copy(src_h.at[s, b], src_v)
            pltpu.sync_copy(dst_h.at[s, b], dst_v)

            def body(j, carry2):
                pltpu.async_copy(tab.at[src_v.at[j]], rows_v, sem).wait()
                pltpu.sync_copy(rows_v, acc.at[dst_v.at[j]], add=True)
                return carry2

            lax.fori_loop(0, KB, body, 0)
            return carry

        lax.fori_loop(0, NBLK, blk, 0)
        plsc.subcore_barrier()
        pltpu.sync_copy(acc.at[pl.ds(s * RPT, RPT)],
                        out_h.at[pl.ds(s * RPT, RPT)])

    @pl.when(c == 0)
    def _():
        run(tab_d, src_dc, dst_dc, agg_c)

    @pl.when(c == 1)
    def _():
        run(tab_c, src_cd, dst_cd, agg_d)


_edge_call = pl.kernel(
    _edge_body,
    out_type=[jax.ShapeDtypeStruct((NPAD, AUG), _f32),
              jax.ShapeDtypeStruct((NPAD, AUG), _f32)],
    mesh=plsc.VectorSubcoreMesh(core_axis_name="c", subcore_axis_name="s"),
    scratch_types=[
        pltpu.VMEM_SHARED((NPAD, AUG), _f32),
        pltpu.VMEM((KB, CHUNK), jnp.int32),
        pltpu.VMEM((KB, CHUNK), jnp.int32),
        pltpu.VMEM((CHUNK, AUG), _f32),
        pltpu.SemaphoreType.DMA,
    ],
    compiler_params=pltpu.CompilerParams(use_tc_tiling_on_sc=False),
)



def _node_update(h_ref, agg_ref, w_ref, g_ref, b_ref):
    sums = agg_ref[:, :H]
    cnt = jnp.maximum(agg_ref[:, H:H + 1], 1.0)
    m = jnp.dot(sums / cnt, w_ref[...], preferred_element_type=_f32)
    x = h_ref[:, :H] + m
    mu = jnp.mean(x, axis=-1, keepdims=True)
    var = jnp.mean((x - mu) * (x - mu), axis=-1, keepdims=True)
    y = g_ref[...] * (x - mu) * lax.rsqrt(var + EPS) + b_ref[...]
    return jnp.maximum(y, 0.0)


def _dense_body(agg_c, agg_d, hd, hc, wdc, wcd, gd, bd, gc, bc,
                outd, outc):
    tail = jnp.where(
        lax.broadcasted_iota(jnp.int32, (ROWBLK, AUG - H), 1) == 0, 1.0, 0.0)
    outd[:, :H] = _node_update(hd, agg_d, wcd, gd, bd)
    outd[:, H:] = tail
    outc[:, :H] = _node_update(hc, agg_c, wdc, gc, bc)
    outc[:, H:] = tail


def _dense_final_body(agg_c, agg_d, hd, hc, wdc, wcd, gd, bd, gc, bc,
                      wfd, wfc, bf, pd, pc):
    yd = _node_update(hd, agg_d, wcd, gd, bd)
    yc = _node_update(hc, agg_c, wdc, gc, bc)
    pd[...] = jnp.dot(yd, wfd[...], preferred_element_type=_f32) + bf[...]
    pc[...] = jnp.dot(yc, wfc[...], preferred_element_type=_f32)


_GRID = (NPAD + ROWBLK - 1) // ROWBLK
_row_spec = pl.BlockSpec((ROWBLK, AUG), lambda i: (i, 0))
_w_spec = pl.BlockSpec((H, H), lambda i: (0, 0))
_v_spec = pl.BlockSpec((1, H), lambda i: (0, 0))

_dense_call = pl.pallas_call(
    _dense_body,
    grid=(_GRID,),
    in_specs=[_row_spec, _row_spec, _row_spec, _row_spec,
              _w_spec, _w_spec, _v_spec, _v_spec, _v_spec, _v_spec],
    out_specs=[_row_spec, _row_spec],
    out_shape=[jax.ShapeDtypeStruct((NPAD, AUG), _f32),
               jax.ShapeDtypeStruct((NPAD, AUG), _f32)],
)

_p_spec = pl.BlockSpec((ROWBLK, 1), lambda i: (i, 0))

_dense_final_call = pl.pallas_call(
    _dense_final_body,
    grid=(_GRID,),
    in_specs=[_row_spec, _row_spec, _row_spec, _row_spec,
              _w_spec, _w_spec, _v_spec, _v_spec, _v_spec, _v_spec,
              pl.BlockSpec((H, 1), lambda i: (0, 0)),
              pl.BlockSpec((H, 1), lambda i: (0, 0)),
              pl.BlockSpec((1, 1), lambda i: (0, 0))],
    out_specs=[_p_spec, _p_spec],
    out_shape=[jax.ShapeDtypeStruct((NPAD, 1), _f32),
               jax.ShapeDtypeStruct((NPAD, 1), _f32)],
)



def _head_body(pd_h, pc_h, did_h, cid_h, out_h, pd_v, pc_v, di_v, ci_v, out_v):
    c = lax.axis_index("c")
    s = lax.axis_index("s")
    wid = s * 2 + c
    pltpu.sync_copy(pd_h, pd_v)
    pltpu.sync_copy(pc_h, pc_v)
    pltpu.sync_copy(did_h.at[wid], di_v)
    pltpu.sync_copy(cid_h.at[wid], ci_v)
    for g in range(BPW // 16):
        di = di_v[pl.ds(g * 16, 16)]
        ci = ci_v[pl.ds(g * 16, 16)]
        logit = plsc.load_gather(pd_v, [di]) + plsc.load_gather(pc_v, [ci])
        out_v[pl.ds(g * 16, 16)] = 1.0 / (1.0 + jnp.exp(-logit))
    pltpu.sync_copy(out_v, out_h.at[wid])


_head_call = pl.kernel(
    _head_body,
    out_type=jax.ShapeDtypeStruct((NW, BPW), _f32),
    mesh=plsc.VectorSubcoreMesh(core_axis_name="c", subcore_axis_name="s"),
    scratch_types=[
        pltpu.VMEM((NPAD,), _f32),
        pltpu.VMEM((NPAD,), _f32),
        pltpu.VMEM((BPW,), jnp.int32),
        pltpu.VMEM((BPW,), jnp.int32),
        pltpu.VMEM((BPW,), _f32),
    ],
    compiler_params=pltpu.CompilerParams(needs_layout_passes=False),
)



def _augment(emb):
    body = jnp.concatenate(
        [emb, jnp.ones((N, 1), _f32), jnp.zeros((N, AUG - H - 1), _f32)],
        axis=1)
    return jnp.concatenate([body, jnp.zeros((NPAD - N, AUG), _f32)], axis=0)


def _prep_edges(ei):
    pad_dst = N + jnp.arange(EPAD - E, dtype=jnp.int32) % (NPAD - N)
    src = jnp.full((EPAD - E,), N, jnp.int32)
    src = jnp.concatenate([ei[0], src])
    dst = jnp.concatenate([ei[1], pad_dst])
    return (src.reshape(NTILES, NBLK, KB, CHUNK),
            dst.reshape(NTILES, NBLK, KB, CHUNK))


def kernel(emb_drug, emb_cell, W_dc, W_cd, g_drug, b_drug, g_cell, b_cell,
           W_final, b_final, edge_index_drug_cell, edge_index_cell_drug,
           drug_ids, cell_ids):
    s_dc, d_dc = _prep_edges(edge_index_drug_cell)
    s_cd, d_cd = _prep_edges(edge_index_cell_drug)
    zrows = jnp.zeros((RPT, AUG), _f32)

    hd = _augment(emb_drug)
    hc = _augment(emb_cell)
    gd, bd = g_drug.reshape(1, H), b_drug.reshape(1, H)
    gc, bc = g_cell.reshape(1, H), b_cell.reshape(1, H)
    wfd, wfc = W_final[:H], W_final[H:]
    bf = b_final.reshape(1, 1)

    agg_c, agg_d = _edge_call(hd, hc, s_dc, d_dc, s_cd, d_cd, zrows)
    hd, hc = _dense_call(agg_c, agg_d, hd, hc, W_dc, W_cd, gd, bd, gc, bc)
    agg_c, agg_d = _edge_call(hd, hc, s_dc, d_dc, s_cd, d_cd, zrows)
    p_d, p_c = _dense_final_call(agg_c, agg_d, hd, hc, W_dc, W_cd,
                                 gd, bd, gc, bc, wfd, wfc, bf)

    out = _head_call(p_d.reshape(NPAD), p_c.reshape(NPAD),
                     drug_ids.reshape(NW, BPW), cell_ids.reshape(NW, BPW))
    return out.reshape(B_OUT)

# --- scband reference (transcript-rebuilt; emitter-appended) ---
"""Pipeline reference for scband-corrected-neo-dti-76459007804013 (READ-ONLY COPY).

The authoritative reference and input builder live on the scoring server;
editing this copy changes nothing except your own understanding.
"""

import jax, jax.numpy as jnp
import numpy as np

H = 128
N_DRUG = 10000
N_CELL = 10000
E = 300000
B = 4096
NUM_LAYERS = 2


def scatter_mean(src, index, dim_size):
    sums = jax.ops.segment_sum(src, index, num_segments=dim_size)
    cnt = jax.ops.segment_sum(jnp.ones((index.shape[0],), dtype=src.dtype), index, num_segments=dim_size)
    cnt = jnp.clip(cnt, 1.0)
    return sums / cnt[:, None]


def layer_norm(x, g, b, eps=1e-5):
    mu = jnp.mean(x, axis=-1, keepdims=True)
    var = jnp.var(x, axis=-1, keepdims=True)
    return g * (x - mu) / jnp.sqrt(var + eps) + b


def setup_inputs(seed: int = 0) -> dict:
    key = jax.random.key(seed)
    ks = jax.random.split(key, 12)
    return {
        "emb_drug": jax.random.normal(ks[0], (N_DRUG, H), dtype=jnp.float32),
        "emb_cell": jax.random.normal(ks[1], (N_CELL, H), dtype=jnp.float32),
        "W_dc": jax.random.normal(ks[2], (H, H), dtype=jnp.float32) * 0.05,
        "W_cd": jax.random.normal(ks[3], (H, H), dtype=jnp.float32) * 0.05,
        "g_drug": jnp.ones((H,), dtype=jnp.float32),
        "b_drug": jnp.zeros((H,), dtype=jnp.float32),
        "g_cell": jnp.ones((H,), dtype=jnp.float32),
        "b_cell": jnp.zeros((H,), dtype=jnp.float32),
        "W_final": jax.random.normal(ks[4], (2 * H, 1), dtype=jnp.float32) * 0.05,
        "b_final": jnp.zeros((1,), dtype=jnp.float32),
        "edge_index_drug_cell": jax.random.randint(ks[5], (2, E), 0, N_CELL, dtype=jnp.int32),
        "edge_index_cell_drug": jax.random.randint(ks[6], (2, E), 0, N_DRUG, dtype=jnp.int32),
        "drug_ids": jax.random.randint(ks[7], (B,), 0, N_DRUG, dtype=jnp.int32),
        "cell_ids": jax.random.randint(ks[8], (B,), 0, N_CELL, dtype=jnp.int32),
    }


def reference(emb_drug, emb_cell, W_dc, W_cd, g_drug, b_drug, g_cell, b_cell, W_final, b_final,
              edge_index_drug_cell, edge_index_cell_drug, drug_ids, cell_ids):
    h_d = emb_drug
    h_c = emb_cell
    src_dc, dst_dc = edge_index_drug_cell[0], edge_index_drug_cell[1]
    src_cd, dst_cd = edge_index_cell_drug[0], edge_index_cell_drug[1]
    for _ in range(NUM_LAYERS):
        # relation (drug, interacts, cell): messages into cell nodes
        msg_c = jnp.take(h_d, src_dc, axis=0) @ W_dc
        m_cell = scatter_mean(msg_c, dst_dc, N_CELL)
        # relation (cell, rev_interacts, drug): messages into drug nodes
        msg_d = jnp.take(h_c, src_cd, axis=0) @ W_cd
        m_drug = scatter_mean(msg_d, dst_cd, N_DRUG)
        # dropout is identity in eval mode
        h_d = jax.nn.relu(layer_norm(h_d + m_drug, g_drug, b_drug))
        h_c = jax.nn.relu(layer_norm(h_c + m_cell, g_cell, b_cell))
    d_emb = jnp.take(h_d, drug_ids, axis=0)
    c_emb = jnp.take(h_c, cell_ids, axis=0)
    combined = jnp.concatenate([d_emb, c_emb], axis=1)
    logit = (combined @ W_final + b_final).squeeze()
    return jax.nn.sigmoid(logit)

if __name__ == "__main__":
    import jax
    _d = setup_inputs()
    print(jax.jit(kernel)(*tuple(_d.values())))

</pallas_src>

<mosaic_0001>
#map = affine_map<(d0, d1) -> (0, 0)>
#map1 = affine_map<(d0, d1) -> (0, 0, 0, 0)>
module attributes {stable_mosaic.version = 14 : i64} {
  func.func @_edge_body(%arg0: i32, %arg1: i32, %arg2: memref<10112x144xf32, #tpu.memory_space<hbm>>, %arg3: memref<10112x144xf32, #tpu.memory_space<hbm>>, %arg4: memref<16x7x21x128xi32, #tpu.memory_space<hbm>>, %arg5: memref<16x7x21x128xi32, #tpu.memory_space<hbm>>, %arg6: memref<16x7x21x128xi32, #tpu.memory_space<hbm>>, %arg7: memref<16x7x21x128xi32, #tpu.memory_space<hbm>>, %arg8: memref<632x144xf32, #tpu.memory_space<hbm>>, %arg9: memref<10112x144xf32, #tpu.memory_space<hbm>>, %arg10: memref<10112x144xf32, #tpu.memory_space<hbm>>, %arg11: memref<10112x144xf32, #tpu.memory_space<vmem_shared>>, %arg12: memref<21x128xi32, #tpu.memory_space<vmem>>, %arg13: memref<21x128xi32, #tpu.memory_space<vmem>>, %arg14: memref<128x144xf32, #tpu.memory_space<vmem>>, %arg15: memref<!tpu.dma_semaphore, #tpu.memory_space<semaphore_mem>>) attributes {dimension_semantics = [#tpu.dimension_semantics<core_parallel>, #tpu.dimension_semantics<subcore_parallel>], iteration_bounds = array<i64: 2, 16>, scalar_prefetch = 0 : i64, scratch_operands = 5 : i64, tpu.core_type = #tpu.core_type<sc_vector_subcore>, window_params = [{transform_indices = #map}, {transform_indices = #map}, {transform_indices = #map1}, {transform_indices = #map1}, {transform_indices = #map1}, {transform_indices = #map1}, {transform_indices = #map}, {transform_indices = #map}, {transform_indices = #map}]} {
    %eq3A = arith.constant 0 : i32
    %eq3A_0 = arith.cmpi eq, %arg0, %eq3A : i32
    %convert_element_type3A = arith.extui %eq3A_0 : i1 to i32
    %cond3A = arith.constant 0 : i32
    %cond3A_1 = arith.cmpi ne, %convert_element_type3A, %cond3A : i32
    scf.if %cond3A_1 {
      %mul3A = arith.constant 632 : i32
      %mul3A_7 = arith.muli %arg1, %mul3A : i32
      "tpu.region"() ({
        %run_scoped3A = tpu.sem_alloc : memref<!tpu.dma_semaphore, #tpu.memory_space<semaphore_mem>>
        %dma_start3A = arith.constant 0 : i32
        %dma_start3A_18 = tpu.memref_slice %arg11[%mul3A_7, %dma_start3A] : memref<10112x144xf32, #tpu.memory_space<vmem_shared>> -> memref<632x144xf32, #tpu.memory_space<vmem_shared>>
        tpu.enqueue_dma source(%arg8 : memref<632x144xf32, #tpu.memory_space<hbm>>) target(%dma_start3A_18 : memref<632x144xf32, #tpu.memory_space<vmem_shared>>) target_semaphore(%run_scoped3A : memref<!tpu.dma_semaphore, #tpu.memory_space<semaphore_mem>>)
        %dma_wait3A = arith.constant 0 : i32
        %dma_wait3A_19 = tpu.memref_slice %arg11[%mul3A_7, %dma_wait3A] : memref<10112x144xf32, #tpu.memory_space<vmem_shared>> -> memref<632x144xf32, #tpu.memory_space<vmem_shared>>
        tpu.wait_dma2 semaphore(%run_scoped3A : memref<!tpu.dma_semaphore, #tpu.memory_space<semaphore_mem>>) src(%arg8 : memref<632x144xf32, #tpu.memory_space<hbm>>) dst(%dma_wait3A_19 : memref<632x144xf32, #tpu.memory_space<vmem_shared>>)
        tpu.yield
      }) : () -> ()
      %barrier3A = arith.constant 0 : index
      tpu.barrier barrier_id(%barrier3A)
      %scan3A = arith.constant 0 : i32
      %scan3A_8 = arith.constant 0 : i32
      %scan3A_9 = arith.constant 7 : i32
      %scan3A_10 = arith.addi %scan3A_8, %scan3A_9 : i32
      %scan3A_11 = arith.constant 1 : i32
      scf.for %scan3A_18 = %scan3A_8 to %scan3A_10 step %scan3A_11  : i32 {
        "tpu.region"() ({
          %run_scoped3A = tpu.sem_alloc : memref<!tpu.dma_semaphore, #tpu.memory_space<semaphore_mem>>
          %dma_start3A = arith.constant 0 : i32
          %dma_start3A_25 = arith.constant 0 : i32
          %dma_start3A_26 = tpu.memref_slice %arg4[%arg1, %scan3A_18, %dma_start3A, %dma_start3A_25] : memref<16x7x21x128xi32, #tpu.memory_space<hbm>> -> memref<1x1x21x128xi32, #tpu.memory_space<hbm>>
          %dma_start3A_27 = tpu.memref_squeeze %dma_start3A_26 : memref<1x1x21x128xi32, #tpu.memory_space<hbm>> -> memref<21x128xi32, #tpu.memory_space<hbm>>
          %dma_start3A_28 = arith.constant 0 : i32
          %dma_start3A_29 = arith.constant 0 : i32
          %dma_start3A_30 = tpu.memref_slice %arg4[%arg1, %scan3A_18, %dma_start3A_28, %dma_start3A_29] : memref<16x7x21x128xi32, #tpu.memory_space<hbm>> -> memref<1x1x21x128xi32, #tpu.memory_space<hbm>>
          %dma_start3A_31 = tpu.memref_squeeze %dma_start3A_30 : memref<1x1x21x128xi32, #tpu.memory_space<hbm>> -> memref<21x128xi32, #tpu.memory_space<hbm>>
          tpu.enqueue_dma source(%dma_start3A_31 : memref<21x128xi32, #tpu.memory_space<hbm>>) target(%arg12 : memref<21x128xi32, #tpu.memory_space<vmem>>) target_semaphore(%run_scoped3A : memref<!tpu.dma_semaphore, #tpu.memory_space<semaphore_mem>>)
          %dma_wait3A = arith.constant 0 : i32
          %dma_wait3A_32 = arith.constant 0 : i32
          %dma_wait3A_33 = tpu.memref_slice %arg4[%arg1, %scan3A_18, %dma_wait3A, %dma_wait3A_32] : memref<16x7x21x128xi32, #tpu.memory_space<hbm>> -> memref<1x1x21x128xi32, #tpu.memory_space<hbm>>
          %dma_wait3A_34 = tpu.memref_squeeze %dma_wait3A_33 : memref<1x1x21x128xi32, #tpu.memory_space<hbm>> -> memref<21x128xi32, #tpu.memory_space<hbm>>
          %dma_wait3A_35 = arith.constant 0 : i32
          %dma_wait3A_36 = arith.constant 0 : i32
          %dma_wait3A_37 = tpu.memref_slice %arg4[%arg1, %scan3A_18, %dma_wait3A_35, %dma_wait3A_36] : memref<16x7x21x128xi32, #tpu.memory_space<hbm>> -> memref<1x1x21x128xi32, #tpu.memory_space<hbm>>
          %dma_wait3A_38 = tpu.memref_squeeze %dma_wait3A_37 : memref<1x1x21x128xi32, #tpu.memory_space<hbm>> -> memref<21x128xi32, #tpu.memory_space<hbm>>
          tpu.wait_dma2 semaphore(%run_scoped3A : memref<!tpu.dma_semaphore, #tpu.memory_space<semaphore_mem>>) src(%dma_wait3A_38 : memref<21x128xi32, #tpu.memory_space<hbm>>) dst(%arg12 : memref<21x128xi32, #tpu.memory_space<vmem>>)
          tpu.yield
        }) : () -> ()
        "tpu.region"() ({
          %run_scoped3A = tpu.sem_alloc : memref<!tpu.dma_semaphore, #tpu.memory_space<semaphore_mem>>
          %dma_start3A = arith.constant 0 : i32
          %dma_start3A_25 = arith.constant 0 : i32
          %dma_start3A_26 = tpu.memref_slice %arg5[%arg1, %scan3A_18, %dma_start3A, %dma_start3A_25] : memref<16x7x21x128xi32, #tpu.memory_space<hbm>> -> memref<1x1x21x128xi32, #tpu.memory_space<hbm>>
          %dma_start3A_27 = tpu.memref_squeeze %dma_start3A_26 : memref<1x1x21x128xi32, #tpu.memory_space<hbm>> -> memref<21x128xi32, #tpu.memory_space<hbm>>
          %dma_start3A_28 = arith.constant 0 : i32
          %dma_start3A_29 = arith.constant 0 : i32
          %dma_start3A_30 = tpu.memref_slice %arg5[%arg1, %scan3A_18, %dma_start3A_28, %dma_start3A_29] : memref<16x7x21x128xi32, #tpu.memory_space<hbm>> -> memref<1x1x21x128xi32, #tpu.memory_space<hbm>>
          %dma_start3A_31 = tpu.memref_squeeze %dma_start3A_30 : memref<1x1x21x128xi32, #tpu.memory_space<hbm>> -> memref<21x128xi32, #tpu.memory_space<hbm>>
          tpu.enqueue_dma source(%dma_start3A_31 : memref<21x128xi32, #tpu.memory_space<hbm>>) target(%arg13 : memref<21x128xi32, #tpu.memory_space<vmem>>) target_semaphore(%run_scoped3A : memref<!tpu.dma_semaphore, #tpu.memory_space<semaphore_mem>>)
          %dma_wait3A = arith.constant 0 : i32
          %dma_wait3A_32 = arith.constant 0 : i32
          %dma_wait3A_33 = tpu.memref_slice %arg5[%arg1, %scan3A_18, %dma_wait3A, %dma_wait3A_32] : memref<16x7x21x128xi32, #tpu.memory_space<hbm>> -> memref<1x1x21x128xi32, #tpu.memory_space<hbm>>
          %dma_wait3A_34 = tpu.memref_squeeze %dma_wait3A_33 : memref<1x1x21x128xi32, #tpu.memory_space<hbm>> -> memref<21x128xi32, #tpu.memory_space<hbm>>
          %dma_wait3A_35 = arith.constant 0 : i32
          %dma_wait3A_36 = arith.constant 0 : i32
          %dma_wait3A_37 = tpu.memref_slice %arg5[%arg1, %scan3A_18, %dma_wait3A_35, %dma_wait3A_36] : memref<16x7x21x128xi32, #tpu.memory_space<hbm>> -> memref<1x1x21x128xi32, #tpu.memory_space<hbm>>
          %dma_wait3A_38 = tpu.memref_squeeze %dma_wait3A_37 : memref<1x1x21x128xi32, #tpu.memory_space<hbm>> -> memref<21x128xi32, #tpu.memory_space<hbm>>
          tpu.wait_dma2 semaphore(%run_scoped3A : memref<!tpu.dma_semaphore, #tpu.memory_space<semaphore_mem>>) src(%dma_wait3A_38 : memref<21x128xi32, #tpu.memory_space<hbm>>) dst(%arg13 : memref<21x128xi32, #tpu.memory_space<vmem>>)
          tpu.yield
        }) : () -> ()
        %scan3A_19 = arith.constant 0 : i32
        %scan3A_20 = arith.constant 0 : i32
        %scan3A_21 = arith.constant 21 : i32
        %scan3A_22 = arith.addi %scan3A_20, %scan3A_21 : i32
        %scan3A_23 = arith.constant 1 : i32
        scf.for %scan3A_25 = %scan3A_20 to %scan3A_22 step %scan3A_23  : i32 {
          %dma_start3A = arith.constant 0 : i32
          %dma_start3A_26 = tpu.memref_slice %arg12[%scan3A_25, %dma_start3A] : memref<21x128xi32, #tpu.memory_space<vmem>> -> memref<1x128xi32, #tpu.memory_space<vmem>>
          %dma_start3A_27 = tpu.memref_squeeze %dma_start3A_26 : memref<1x128xi32, #tpu.memory_space<vmem>> -> memref<128xi32, #tpu.memory_space<vmem>>
          %dma_start3A_28 = arith.constant 0 : i32
          %dma_start3A_29 = arith.constant 0 : i32
          %dma_start3A_30 = tpu.memref_slice %arg2[%dma_start3A_28, %dma_start3A_29] : memref<10112x144xf32, #tpu.memory_space<hbm>> -> memref<10112x144xf32, #tpu.memory_space<hbm>>
          tpu.enqueue_indirect_dma source(%dma_start3A_30 : memref<10112x144xf32, #tpu.memory_space<hbm>>) target(%arg14 : memref<128x144xf32, #tpu.memory_space<vmem>>) offsets(%dma_start3A_27 : memref<128xi32, #tpu.memory_space<vmem>>) semaphore(%arg15 : memref<!tpu.dma_semaphore, #tpu.memory_space<semaphore_mem>>)
          %dma_wait3A = arith.constant 0 : i32
          %dma_wait3A_31 = tpu.memref_slice %arg12[%scan3A_25, %dma_wait3A] : memref<21x128xi32, #tpu.memory_space<vmem>> -> memref<1x128xi32, #tpu.memory_space<vmem>>
          %dma_wait3A_32 = tpu.memref_squeeze %dma_wait3A_31 : memref<1x128xi32, #tpu.memory_space<vmem>> -> memref<128xi32, #tpu.memory_space<vmem>>
          %dma_wait3A_33 = arith.constant 0 : i32
          %dma_wait3A_34 = arith.constant 0 : i32
          %dma_wait3A_35 = tpu.memref_slice %arg2[%dma_wait3A_33, %dma_wait3A_34] : memref<10112x144xf32, #tpu.memory_space<hbm>> -> memref<10112x144xf32, #tpu.memory_space<hbm>>
          tpu.wait_indirect_dma semaphore(%arg15 : memref<!tpu.dma_semaphore, #tpu.memory_space<semaphore_mem>>) src(%dma_wait3A_35 : memref<10112x144xf32, #tpu.memory_space<hbm>>) dst(%arg14 : memref<128x144xf32, #tpu.memory_space<vmem>>)
          "tpu.region"() ({
            %run_scoped3A = tpu.sem_alloc : memref<!tpu.dma_semaphore, #tpu.memory_space<semaphore_mem>>
            %dma_start3A_36 = arith.constant 0 : i32
            %dma_start3A_37 = tpu.memref_slice %arg13[%scan3A_25, %dma_start3A_36] : memref<21x128xi32, #tpu.memory_space<vmem>> -> memref<1x128xi32, #tpu.memory_space<vmem>>
            %dma_start3A_38 = tpu.memref_squeeze %dma_start3A_37 : memref<1x128xi32, #tpu.memory_space<vmem>> -> memref<128xi32, #tpu.memory_space<vmem>>
            %dma_start3A_39 = arith.constant 0 : i32
            %dma_start3A_40 = arith.constant 0 : i32
            %dma_start3A_41 = tpu.memref_slice %arg11[%dma_start3A_39, %dma_start3A_40] : memref<10112x144xf32, #tpu.memory_space<vmem_shared>> -> memref<10112x144xf32, #tpu.memory_space<vmem_shared>>
            tpu.enqueue_indirect_dma source(%arg14 : memref<128x144xf32, #tpu.memory_space<vmem>>) target(%dma_start3A_41 : memref<10112x144xf32, #tpu.memory_space<vmem_shared>>) offsets(%dma_start3A_38 : memref<128xi32, #tpu.memory_space<vmem>>) semaphore(%run_scoped3A : memref<!tpu.dma_semaphore, #tpu.memory_space<semaphore_mem>>) {add = true}
            %dma_wait3A_42 = arith.constant 0 : i32
            %dma_wait3A_43 = tpu.memref_slice %arg13[%scan3A_25, %dma_wait3A_42] : memref<21x128xi32, #tpu.memory_space<vmem>> -> memref<1x128xi32, #tpu.memory_space<vmem>>
            %dma_wait3A_44 = tpu.memref_squeeze %dma_wait3A_43 : memref<1x128xi32, #tpu.memory_space<vmem>> -> memref<128xi32, #tpu.memory_space<vmem>>
            %dma_wait3A_45 = arith.constant 0 : i32
            %dma_wait3A_46 = arith.constant 0 : i32
            %dma_wait3A_47 = tpu.memref_slice %arg11[%dma_wait3A_45, %dma_wait3A_46] : memref<10112x144xf32, #tpu.memory_space<vmem_shared>> -> memref<10112x144xf32, #tpu.memory_space<vmem_shared>>
            tpu.wait_indirect_dma semaphore(%run_scoped3A : memref<!tpu.dma_semaphore, #tpu.memory_space<semaphore_mem>>) src(%arg14 : memref<128x144xf32, #tpu.memory_space<vmem>>) dst(%dma_wait3A_47 : memref<10112x144xf32, #tpu.memory_space<vmem_shared>>)
            tpu.yield
          }) : () -> ()
        }
        %scan3A_24 = arith.constant 21 : i32
      }
      %scan3A_12 = arith.constant 7 : i32
      %barrier3A_13 = arith.constant 0 : index
      tpu.barrier barrier_id(%barrier3A_13)
      %mul3A_14 = arith.constant 632 : i32
      %mul3A_15 = arith.muli %arg1, %mul3A_14 : i32
      %mul3A_16 = arith.constant 632 : i32
      %mul3A_17 = arith.muli %arg1, %mul3A_16 : i32
      "tpu.region"() ({
        %run_scoped3A = tpu.sem_alloc : memref<!tpu.dma_semaphore, #tpu.memory_space<semaphore_mem>>
        %dma_start3A = arith.constant 0 : i32
        %dma_start3A_18 = tpu.memref_slice %arg9[%mul3A_17, %dma_start3A] : memref<10112x144xf32, #tpu.memory_space<hbm>> -> memref<632x144xf32, #tpu.memory_space<hbm>>
        %dma_start3A_19 = arith.constant 0 : i32
        %dma_start3A_20 = tpu.memref_slice %arg11[%mul3A_15, %dma_start3A_19] : memref<10112x144xf32, #tpu.memory_space<vmem_shared>> -> memref<632x144xf32, #tpu.memory_space<vmem_shared>>
        tpu.enqueue_dma source(%dma_start3A_20 : memref<632x144xf32, #tpu.memory_space<vmem_shared>>) target(%dma_start3A_18 : memref<632x144xf32, #tpu.memory_space<hbm>>) target_semaphore(%run_scoped3A : memref<!tpu.dma_semaphore, #tpu.memory_space<semaphore_mem>>)
        %dma_wait3A = arith.constant 0 : i32
        %dma_wait3A_21 = tpu.memref_slice %arg9[%mul3A_17, %dma_wait3A] : memref<10112x144xf32, #tpu.memory_space<hbm>> -> memref<632x144xf32, #tpu.memory_space<hbm>>
        %dma_wait3A_22 = arith.constant 0 : i32
        %dma_wait3A_23 = tpu.memref_slice %arg11[%mul3A_15, %dma_wait3A_22] : memref<10112x144xf32, #tpu.memory_space<vmem_shared>> -> memref<632x144xf32, #tpu.memory_space<vmem_shared>>
        tpu.wait_dma2 semaphore(%run_scoped3A : memref<!tpu.dma_semaphore, #tpu.memory_space<semaphore_mem>>) src(%dma_wait3A_23 : memref<632x144xf32, #tpu.memory_space<vmem_shared>>) dst(%dma_wait3A_21 : memref<632x144xf32, #tpu.memory_space<hbm>>)
        tpu.yield
      }) : () -> ()
    } else {
    }
    %eq3A_2 = arith.constant 1 : i32
    %eq3A_3 = arith.cmpi eq, %arg0, %eq3A_2 : i32
    %convert_element_type3A_4 = arith.extui %eq3A_3 : i1 to i32
    %cond3A_5 = arith.constant 0 : i32
    %cond3A_6 = arith.cmpi ne, %convert_element_type3A_4, %cond3A_5 : i32
    scf.if %cond3A_6 {
      %mul3A = arith.constant 632 : i32
      %mul3A_7 = arith.muli %arg1, %mul3A : i32
      "tpu.region"() ({
        %run_scoped3A = tpu.sem_alloc : memref<!tpu.dma_semaphore, #tpu.memory_space<semaphore_mem>>
        %dma_start3A = arith.constant 0 : i32
        %dma_start3A_18 = tpu.memref_slice %arg11[%mul3A_7, %dma_start3A] : memref<10112x144xf32, #tpu.memory_space<vmem_shared>> -> memref<632x144xf32, #tpu.memory_space<vmem_shared>>
        tpu.enqueue_dma source(%arg8 : memref<632x144xf32, #tpu.memory_space<hbm>>) target(%dma_start3A_18 : memref<632x144xf32, #tpu.memory_space<vmem_shared>>) target_semaphore(%run_scoped3A : memref<!tpu.dma_semaphore, #tpu.memory_space<semaphore_mem>>)
        %dma_wait3A = arith.constant 0 : i32
        %dma_wait3A_19 = tpu.memref_slice %arg11[%mul3A_7, %dma_wait3A] : memref<10112x144xf32, #tpu.memory_space<vmem_shared>> -> memref<632x144xf32, #tpu.memory_space<vmem_shared>>
        tpu.wait_dma2 semaphore(%run_scoped3A : memref<!tpu.dma_semaphore, #tpu.memory_space<semaphore_mem>>) src(%arg8 : memref<632x144xf32, #tpu.memory_space<hbm>>) dst(%dma_wait3A_19 : memref<632x144xf32, #tpu.memory_space<vmem_shared>>)
        tpu.yield
      }) : () -> ()
      %barrier3A = arith.constant 0 : index
      tpu.barrier barrier_id(%barrier3A)
      %scan3A = arith.constant 0 : i32
      %scan3A_8 = arith.constant 0 : i32
      %scan3A_9 = arith.constant 7 : i32
      %scan3A_10 = arith.addi %scan3A_8, %scan3A_9 : i32
      %scan3A_11 = arith.constant 1 : i32
      scf.for %scan3A_18 = %scan3A_8 to %scan3A_10 step %scan3A_11  : i32 {
        "tpu.region"() ({
          %run_scoped3A = tpu.sem_alloc : memref<!tpu.dma_semaphore, #tpu.memory_space<semaphore_mem>>
          %dma_start3A = arith.constant 0 : i32
          %dma_start3A_25 = arith.constant 0 : i32
          %dma_start3A_26 = tpu.memref_slice %arg6[%arg1, %scan3A_18, %dma_start3A, %dma_start3A_25] : memref<16x7x21x128xi32, #tpu.memory_space<hbm>> -> memref<1x1x21x128xi32, #tpu.memory_space<hbm>>
          %dma_start3A_27 = tpu.memref_squeeze %dma_start3A_26 : memref<1x1x21x128xi32, #tpu.memory_space<hbm>> -> memref<21x128xi32, #tpu.memory_space<hbm>>
          %dma_start3A_28 = arith.constant 0 : i32
          %dma_start3A_29 = arith.constant 0 : i32
          %dma_start3A_30 = tpu.memref_slice %arg6[%arg1, %scan3A_18, %dma_start3A_28, %dma_start3A_29] : memref<16x7x21x128xi32, #tpu.memory_space<hbm>> -> memref<1x1x21x128xi32, #tpu.memory_space<hbm>>
          %dma_start3A_31 = tpu.memref_squeeze %dma_start3A_30 : memref<1x1x21x128xi32, #tpu.memory_space<hbm>> -> memref<21x128xi32, #tpu.memory_space<hbm>>
          tpu.enqueue_dma source(%dma_start3A_31 : memref<21x128xi32, #tpu.memory_space<hbm>>) target(%arg12 : memref<21x128xi32, #tpu.memory_space<vmem>>) target_semaphore(%run_scoped3A : memref<!tpu.dma_semaphore, #tpu.memory_space<semaphore_mem>>)
          %dma_wait3A = arith.constant 0 : i32
          %dma_wait3A_32 = arith.constant 0 : i32
          %dma_wait3A_33 = tpu.memref_slice %arg6[%arg1, %scan3A_18, %dma_wait3A, %dma_wait3A_32] : memref<16x7x21x128xi32, #tpu.memory_space<hbm>> -> memref<1x1x21x128xi32, #tpu.memory_space<hbm>>
          %dma_wait3A_34 = tpu.memref_squeeze %dma_wait3A_33 : memref<1x1x21x128xi32, #tpu.memory_space<hbm>> -> memref<21x128xi32, #tpu.memory_space<hbm>>
          %dma_wait3A_35 = arith.constant 0 : i32
          %dma_wait3A_36 = arith.constant 0 : i32
          %dma_wait3A_37 = tpu.memref_slice %arg6[%arg1, %scan3A_18, %dma_wait3A_35, %dma_wait3A_36] : memref<16x7x21x128xi32, #tpu.memory_space<hbm>> -> memref<1x1x21x128xi32, #tpu.memory_space<hbm>>
          %dma_wait3A_38 = tpu.memref_squeeze %dma_wait3A_37 : memref<1x1x21x128xi32, #tpu.memory_space<hbm>> -> memref<21x128xi32, #tpu.memory_space<hbm>>
          tpu.wait_dma2 semaphore(%run_scoped3A : memref<!tpu.dma_semaphore, #tpu.memory_space<semaphore_mem>>) src(%dma_wait3A_38 : memref<21x128xi32, #tpu.memory_space<hbm>>) dst(%arg12 : memref<21x128xi32, #tpu.memory_space<vmem>>)
          tpu.yield
        }) : () -> ()
        "tpu.region"() ({
          %run_scoped3A = tpu.sem_alloc : memref<!tpu.dma_semaphore, #tpu.memory_space<semaphore_mem>>
          %dma_start3A = arith.constant 0 : i32
          %dma_start3A_25 = arith.constant 0 : i32
          %dma_start3A_26 = tpu.memref_slice %arg7[%arg1, %scan3A_18, %dma_start3A, %dma_start3A_25] : memref<16x7x21x128xi32, #tpu.memory_space<hbm>> -> memref<1x1x21x128xi32, #tpu.memory_space<hbm>>
          %dma_start3A_27 = tpu.memref_squeeze %dma_start3A_26 : memref<1x1x21x128xi32, #tpu.memory_space<hbm>> -> memref<21x128xi32, #tpu.memory_space<hbm>>
          %dma_start3A_28 = arith.constant 0 : i32
          %dma_start3A_29 = arith.constant 0 : i32
          %dma_start3A_30 = tpu.memref_slice %arg7[%arg1, %scan3A_18, %dma_start3A_28, %dma_start3A_29] : memref<16x7x21x128xi32, #tpu.memory_space<hbm>> -> memref<1x1x21x128xi32, #tpu.memory_space<hbm>>
          %dma_start3A_31 = tpu.memref_squeeze %dma_start3A_30 : memref<1x1x21x128xi32, #tpu.memory_space<hbm>> -> memref<21x128xi32, #tpu.memory_space<hbm>>
          tpu.enqueue_dma source(%dma_start3A_31 : memref<21x128xi32, #tpu.memory_space<hbm>>) target(%arg13 : memref<21x128xi32, #tpu.memory_space<vmem>>) target_semaphore(%run_scoped3A : memref<!tpu.dma_semaphore, #tpu.memory_space<semaphore_mem>>)
          %dma_wait3A = arith.constant 0 : i32
          %dma_wait3A_32 = arith.constant 0 : i32
          %dma_wait3A_33 = tpu.memref_slice %arg7[%arg1, %scan3A_18, %dma_wait3A, %dma_wait3A_32] : memref<16x7x21x128xi32, #tpu.memory_space<hbm>> -> memref<1x1x21x128xi32, #tpu.memory_space<hbm>>
          %dma_wait3A_34 = tpu.memref_squeeze %dma_wait3A_33 : memref<1x1x21x128xi32, #tpu.memory_space<hbm>> -> memref<21x128xi32, #tpu.memory_space<hbm>>
          %dma_wait3A_35 = arith.constant 0 : i32
          %dma_wait3A_36 = arith.constant 0 : i32
          %dma_wait3A_37 = tpu.memref_slice %arg7[%arg1, %scan3A_18, %dma_wait3A_35, %dma_wait3A_36] : memref<16x7x21x128xi32, #tpu.memory_space<hbm>> -> memref<1x1x21x128xi32, #tpu.memory_space<hbm>>
          %dma_wait3A_38 = tpu.memref_squeeze %dma_wait3A_37 : memref<1x1x21x128xi32, #tpu.memory_space<hbm>> -> memref<21x128xi32, #tpu.memory_space<hbm>>
          tpu.wait_dma2 semaphore(%run_scoped3A : memref<!tpu.dma_semaphore, #tpu.memory_space<semaphore_mem>>) src(%dma_wait3A_38 : memref<21x128xi32, #tpu.memory_space<hbm>>) dst(%arg13 : memref<21x128xi32, #tpu.memory_space<vmem>>)
          tpu.yield
        }) : () -> ()
        %scan3A_19 = arith.constant 0 : i32
        %scan3A_20 = arith.constant 0 : i32
        %scan3A_21 = arith.constant 21 : i32
        %scan3A_22 = arith.addi %scan3A_20, %scan3A_21 : i32
        %scan3A_23 = arith.constant 1 : i32
        scf.for %scan3A_25 = %scan3A_20 to %scan3A_22 step %scan3A_23  : i32 {
          %dma_start3A = arith.constant 0 : i32
          %dma_start3A_26 = tpu.memref_slice %arg12[%scan3A_25, %dma_start3A] : memref<21x128xi32, #tpu.memory_space<vmem>> -> memref<1x128xi32, #tpu.memory_space<vmem>>
          %dma_start3A_27 = tpu.memref_squeeze %dma_start3A_26 : memref<1x128xi32, #tpu.memory_space<vmem>> -> memref<128xi32, #tpu.memory_space<vmem>>
          %dma_start3A_28 = arith.constant 0 : i32
          %dma_start3A_29 = arith.constant 0 : i32
          %dma_start3A_30 = tpu.memref_slice %arg3[%dma_start3A_28, %dma_start3A_29] : memref<10112x144xf32, #tpu.memory_space<hbm>> -> memref<10112x144xf32, #tpu.memory_space<hbm>>
          tpu.enqueue_indirect_dma source(%dma_start3A_30 : memref<10112x144xf32, #tpu.memory_space<hbm>>) target(%arg14 : memref<128x144xf32, #tpu.memory_space<vmem>>) offsets(%dma_start3A_27 : memref<128xi32, #tpu.memory_space<vmem>>) semaphore(%arg15 : memref<!tpu.dma_semaphore, #tpu.memory_space<semaphore_mem>>)
          %dma_wait3A = arith.constant 0 : i32
          %dma_wait3A_31 = tpu.memref_slice %arg12[%scan3A_25, %dma_wait3A] : memref<21x128xi32, #tpu.memory_space<vmem>> -> memref<1x128xi32, #tpu.memory_space<vmem>>
          %dma_wait3A_32 = tpu.memref_squeeze %dma_wait3A_31 : memref<1x128xi32, #tpu.memory_space<vmem>> -> memref<128xi32, #tpu.memory_space<vmem>>
          %dma_wait3A_33 = arith.constant 0 : i32
          %dma_wait3A_34 = arith.constant 0 : i32
          %dma_wait3A_35 = tpu.memref_slice %arg3[%dma_wait3A_33, %dma_wait3A_34] : memref<10112x144xf32, #tpu.memory_space<hbm>> -> memref<10112x144xf32, #tpu.memory_space<hbm>>
          tpu.wait_indirect_dma semaphore(%arg15 : memref<!tpu.dma_semaphore, #tpu.memory_space<semaphore_mem>>) src(%dma_wait3A_35 : memref<10112x144xf32, #tpu.memory_space<hbm>>) dst(%arg14 : memref<128x144xf32, #tpu.memory_space<vmem>>)
          "tpu.region"() ({
            %run_scoped3A = tpu.sem_alloc : memref<!tpu.dma_semaphore, #tpu.memory_space<semaphore_mem>>
            %dma_start3A_36 = arith.constant 0 : i32
            %dma_start3A_37 = tpu.memref_slice %arg13[%scan3A_25, %dma_start3A_36] : memref<21x128xi32, #tpu.memory_space<vmem>> -> memref<1x128xi32, #tpu.memory_space<vmem>>
            %dma_start3A_38 = tpu.memref_squeeze %dma_start3A_37 : memref<1x128xi32, #tpu.memory_space<vmem>> -> memref<128xi32, #tpu.memory_space<vmem>>
            %dma_start3A_39 = arith.constant 0 : i32
            %dma_start3A_40 = arith.constant 0 : i32
            %dma_start3A_41 = tpu.memref_slice %arg11[%dma_start3A_39, %dma_start3A_40] : memref<10112x144xf32, #tpu.memory_space<vmem_shared>> -> memref<10112x144xf32, #tpu.memory_space<vmem_shared>>
            tpu.enqueue_indirect_dma source(%arg14 : memref<128x144xf32, #tpu.memory_space<vmem>>) target(%dma_start3A_41 : memref<10112x144xf32, #tpu.memory_space<vmem_shared>>) offsets(%dma_start3A_38 : memref<128xi32, #tpu.memory_space<vmem>>) semaphore(%run_scoped3A : memref<!tpu.dma_semaphore, #tpu.memory_space<semaphore_mem>>) {add = true}
            %dma_wait3A_42 = arith.constant 0 : i32
            %dma_wait3A_43 = tpu.memref_slice %arg13[%scan3A_25, %dma_wait3A_42] : memref<21x128xi32, #tpu.memory_space<vmem>> -> memref<1x128xi32, #tpu.memory_space<vmem>>
            %dma_wait3A_44 = tpu.memref_squeeze %dma_wait3A_43 : memref<1x128xi32, #tpu.memory_space<vmem>> -> memref<128xi32, #tpu.memory_space<vmem>>
            %dma_wait3A_45 = arith.constant 0 : i32
            %dma_wait3A_46 = arith.constant 0 : i32
            %dma_wait3A_47 = tpu.memref_slice %arg11[%dma_wait3A_45, %dma_wait3A_46] : memref<10112x144xf32, #tpu.memory_space<vmem_shared>> -> memref<10112x144xf32, #tpu.memory_space<vmem_shared>>
            tpu.wait_indirect_dma semaphore(%run_scoped3A : memref<!tpu.dma_semaphore, #tpu.memory_space<semaphore_mem>>) src(%arg14 : memref<128x144xf32, #tpu.memory_space<vmem>>) dst(%dma_wait3A_47 : memref<10112x144xf32, #tpu.memory_space<vmem_shared>>)
            tpu.yield
          }) : () -> ()
        }
        %scan3A_24 = arith.constant 21 : i32
      }
      %scan3A_12 = arith.constant 7 : i32
      %barrier3A_13 = arith.constant 0 : index
      tpu.barrier barrier_id(%barrier3A_13)
      %mul3A_14 = arith.constant 632 : i32
      %mul3A_15 = arith.muli %arg1, %mul3A_14 : i32
      %mul3A_16 = arith.constant 632 : i32
      %mul3A_17 = arith.muli %arg1, %mul3A_16 : i32
      "tpu.region"() ({
        %run_scoped3A = tpu.sem_alloc : memref<!tpu.dma_semaphore, #tpu.memory_space<semaphore_mem>>
        %dma_start3A = arith.constant 0 : i32
        %dma_start3A_18 = tpu.memref_slice %arg10[%mul3A_17, %dma_start3A] : memref<10112x144xf32, #tpu.memory_space<hbm>> -> memref<632x144xf32, #tpu.memory_space<hbm>>
        %dma_start3A_19 = arith.constant 0 : i32
        %dma_start3A_20 = tpu.memref_slice %arg11[%mul3A_15, %dma_start3A_19] : memref<10112x144xf32, #tpu.memory_space<vmem_shared>> -> memref<632x144xf32, #tpu.memory_space<vmem_shared>>
        tpu.enqueue_dma source(%dma_start3A_20 : memref<632x144xf32, #tpu.memory_space<vmem_shared>>) target(%dma_start3A_18 : memref<632x144xf32, #tpu.memory_space<hbm>>) target_semaphore(%run_scoped3A : memref<!tpu.dma_semaphore, #tpu.memory_space<semaphore_mem>>)
        %dma_wait3A = arith.constant 0 : i32
        %dma_wait3A_21 = tpu.memref_slice %arg10[%mul3A_17, %dma_wait3A] : memref<10112x144xf32, #tpu.memory_space<hbm>> -> memref<632x144xf32, #tpu.memory_space<hbm>>
        %dma_wait3A_22 = arith.constant 0 : i32
        %dma_wait3A_23 = tpu.memref_slice %arg11[%mul3A_15, %dma_wait3A_22] : memref<10112x144xf32, #tpu.memory_space<vmem_shared>> -> memref<632x144xf32, #tpu.memory_space<vmem_shared>>
        tpu.wait_dma2 semaphore(%run_scoped3A : memref<!tpu.dma_semaphore, #tpu.memory_space<semaphore_mem>>) src(%dma_wait3A_23 : memref<632x144xf32, #tpu.memory_space<vmem_shared>>) dst(%dma_wait3A_21 : memref<632x144xf32, #tpu.memory_space<hbm>>)
        tpu.yield
      }) : () -> ()
    } else {
    }
    return
  }
}

#map = affine_map<(d0, d1) -> (0)>
#map1 = affine_map<(d0, d1) -> (0, 0)>
module attributes {stable_mosaic.version = 14 : i64} {
  func.func @_head_body(%arg0: i32, %arg1: i32, %arg2: memref<10112xf32, #tpu.memory_space<hbm>>, %arg3: memref<10112xf32, #tpu.memory_space<hbm>>, %arg4: memref<32x128xi32, #tpu.memory_space<hbm>>, %arg5: memref<32x128xi32, #tpu.memory_space<hbm>>, %arg6: memref<32x128xf32, #tpu.memory_space<hbm>>, %arg7: memref<10112xf32, #tpu.memory_space<vmem>>, %arg8: memref<10112xf32, #tpu.memory_space<vmem>>, %arg9: memref<128xi32, #tpu.memory_space<vmem>>, %arg10: memref<128xi32, #tpu.memory_space<vmem>>, %arg11: memref<128xf32, #tpu.memory_space<vmem>>) attributes {dimension_semantics = [#tpu.dimension_semantics<core_parallel>, #tpu.dimension_semantics<subcore_parallel>], iteration_bounds = array<i64: 2, 16>, scalar_prefetch = 0 : i64, scratch_operands = 5 : i64, tpu.core_type = #tpu.core_type<sc_vector_subcore>, window_params = [{transform_indices = #map}, {transform_indices = #map}, {transform_indices = #map1}, {transform_indices = #map1}, {transform_indices = #map1}]} {
    %mul3A = arith.constant 2 : i32
    %mul3A_0 = arith.muli %arg1, %mul3A : i32
    %add3A = arith.addi %mul3A_0, %arg0 : i32
    "tpu.region"() ({
      %run_scoped3A = tpu.sem_alloc : memref<!tpu.dma_semaphore, #tpu.memory_space<semaphore_mem>>
      tpu.enqueue_dma source(%arg2 : memref<10112xf32, #tpu.memory_space<hbm>>) target(%arg7 : memref<10112xf32, #tpu.memory_space<vmem>>) target_semaphore(%run_scoped3A : memref<!tpu.dma_semaphore, #tpu.memory_space<semaphore_mem>>)
      tpu.wait_dma2 semaphore(%run_scoped3A : memref<!tpu.dma_semaphore, #tpu.memory_space<semaphore_mem>>) src(%arg2 : memref<10112xf32, #tpu.memory_space<hbm>>) dst(%arg7 : memref<10112xf32, #tpu.memory_space<vmem>>)
      tpu.yield
    }) : () -> ()
    "tpu.region"() ({
      %run_scoped3A = tpu.sem_alloc : memref<!tpu.dma_semaphore, #tpu.memory_space<semaphore_mem>>
      tpu.enqueue_dma source(%arg3 : memref<10112xf32, #tpu.memory_space<hbm>>) target(%arg8 : memref<10112xf32, #tpu.memory_space<vmem>>) target_semaphore(%run_scoped3A : memref<!tpu.dma_semaphore, #tpu.memory_space<semaphore_mem>>)
      tpu.wait_dma2 semaphore(%run_scoped3A : memref<!tpu.dma_semaphore, #tpu.memory_space<semaphore_mem>>) src(%arg3 : memref<10112xf32, #tpu.memory_space<hbm>>) dst(%arg8 : memref<10112xf32, #tpu.memory_space<vmem>>)
      tpu.yield
    }) : () -> ()
    "tpu.region"() ({
      %run_scoped3A = tpu.sem_alloc : memref<!tpu.dma_semaphore, #tpu.memory_space<semaphore_mem>>
      %dma_start3A = arith.constant 0 : i32
      %dma_start3A_147 = tpu.memref_slice %arg4[%add3A, %dma_start3A] : memref<32x128xi32, #tpu.memory_space<hbm>> -> memref<1x128xi32, #tpu.memory_space<hbm>>
      %dma_start3A_148 = tpu.memref_squeeze %dma_start3A_147 : memref<1x128xi32, #tpu.memory_space<hbm>> -> memref<128xi32, #tpu.memory_space<hbm>>
      %dma_start3A_149 = arith.constant 0 : i32
      %dma_start3A_150 = tpu.memref_slice %arg4[%add3A, %dma_start3A_149] : memref<32x128xi32, #tpu.memory_space<hbm>> -> memref<1x128xi32, #tpu.memory_space<hbm>>
      %dma_start3A_151 = tpu.memref_squeeze %dma_start3A_150 : memref<1x128xi32, #tpu.memory_space<hbm>> -> memref<128xi32, #tpu.memory_space<hbm>>
      tpu.enqueue_dma source(%dma_start3A_151 : memref<128xi32, #tpu.memory_space<hbm>>) target(%arg9 : memref<128xi32, #tpu.memory_space<vmem>>) target_semaphore(%run_scoped3A : memref<!tpu.dma_semaphore, #tpu.memory_space<semaphore_mem>>)
      %dma_wait3A = arith.constant 0 : i32
      %dma_wait3A_152 = tpu.memref_slice %arg4[%add3A, %dma_wait3A] : memref<32x128xi32, #tpu.memory_space<hbm>> -> memref<1x128xi32, #tpu.memory_space<hbm>>
      %dma_wait3A_153 = tpu.memref_squeeze %dma_wait3A_152 : memref<1x128xi32, #tpu.memory_space<hbm>> -> memref<128xi32, #tpu.memory_space<hbm>>
      %dma_wait3A_154 = arith.constant 0 : i32
      %dma_wait3A_155 = tpu.memref_slice %arg4[%add3A, %dma_wait3A_154] : memref<32x128xi32, #tpu.memory_space<hbm>> -> memref<1x128xi32, #tpu.memory_space<hbm>>
      %dma_wait3A_156 = tpu.memref_squeeze %dma_wait3A_155 : memref<1x128xi32, #tpu.memory_space<hbm>> -> memref<128xi32, #tpu.memory_space<hbm>>
      tpu.wait_dma2 semaphore(%run_scoped3A : memref<!tpu.dma_semaphore, #tpu.memory_space<semaphore_mem>>) src(%dma_wait3A_156 : memref<128xi32, #tpu.memory_space<hbm>>) dst(%arg9 : memref<128xi32, #tpu.memory_space<vmem>>)
      tpu.yield
    }) : () -> ()
    "tpu.region"() ({
      %run_scoped3A = tpu.sem_alloc : memref<!tpu.dma_semaphore, #tpu.memory_space<semaphore_mem>>
      %dma_start3A = arith.constant 0 : i32
      %dma_start3A_147 = tpu.memref_slice %arg5[%add3A, %dma_start3A] : memref<32x128xi32, #tpu.memory_space<hbm>> -> memref<1x128xi32, #tpu.memory_space<hbm>>
      %dma_start3A_148 = tpu.memref_squeeze %dma_start3A_147 : memref<1x128xi32, #tpu.memory_space<hbm>> -> memref<128xi32, #tpu.memory_space<hbm>>
      %dma_start3A_149 = arith.constant 0 : i32
      %dma_start3A_150 = tpu.memref_slice %arg5[%add3A, %dma_start3A_149] : memref<32x128xi32, #tpu.memory_space<hbm>> -> memref<1x128xi32, #tpu.memory_space<hbm>>
      %dma_start3A_151 = tpu.memref_squeeze %dma_start3A_150 : memref<1x128xi32, #tpu.memory_space<hbm>> -> memref<128xi32, #tpu.memory_space<hbm>>
      tpu.enqueue_dma source(%dma_start3A_151 : memref<128xi32, #tpu.memory_space<hbm>>) target(%arg10 : memref<128xi32, #tpu.memory_space<vmem>>) target_semaphore(%run_scoped3A : memref<!tpu.dma_semaphore, #tpu.memory_space<semaphore_mem>>)
      %dma_wait3A = arith.constant 0 : i32
      %dma_wait3A_152 = tpu.memref_slice %arg5[%add3A, %dma_wait3A] : memref<32x128xi32, #tpu.memory_space<hbm>> -> memref<1x128xi32, #tpu.memory_space<hbm>>
      %dma_wait3A_153 = tpu.memref_squeeze %dma_wait3A_152 : memref<1x128xi32, #tpu.memory_space<hbm>> -> memref<128xi32, #tpu.memory_space<hbm>>
      %dma_wait3A_154 = arith.constant 0 : i32
      %dma_wait3A_155 = tpu.memref_slice %arg5[%add3A, %dma_wait3A_154] : memref<32x128xi32, #tpu.memory_space<hbm>> -> memref<1x128xi32, #tpu.memory_space<hbm>>
      %dma_wait3A_156 = tpu.memref_squeeze %dma_wait3A_155 : memref<1x128xi32, #tpu.memory_space<hbm>> -> memref<128xi32, #tpu.memory_space<hbm>>
      tpu.wait_dma2 semaphore(%run_scoped3A : memref<!tpu.dma_semaphore, #tpu.memory_space<semaphore_mem>>) src(%dma_wait3A_156 : memref<128xi32, #tpu.memory_space<hbm>>) dst(%arg10 : memref<128xi32, #tpu.memory_space<vmem>>)
      tpu.yield
    }) : () -> ()
    %get3A = arith.constant 0 : index
    %get3A_1 = tpu.vector_load %arg9[%get3A] {strides = array<i32>} : memref<128xi32, #tpu.memory_space<vmem>>, vector<16xi32>,
    %get3A_2 = arith.constant 0 : index
    %get3A_3 = tpu.vector_load %arg10[%get3A_2] {strides = array<i32>} : memref<128xi32, #tpu.memory_space<vmem>>, vector<16xi32>,
    %gather3A = tpu.vector_load_idx %arg7[%get3A_1] : memref<10112xf32, #tpu.memory_space<vmem>>[vector<16xi32>], vector<16xf32>,
    %gather3A_4 = tpu.vector_load_idx %arg8[%get3A_3] : memref<10112xf32, #tpu.memory_space<vmem>>[vector<16xi32>], vector<16xf32>,
    %add3A_5 = arith.addf %gather3A, %gather3A_4 : vector<16xf32>
    %neg3A = arith.constant 0.000000e+00 : f32
    %neg3A_6 = vector.broadcast %neg3A : f32 to vector<16xf32>
    %neg3A_7 = arith.subf %neg3A_6, %add3A_5 : vector<16xf32>
    %exp3A = math.exp %neg3A_7 : vector<16xf32>
    %add3A_8 = arith.constant 1.000000e+00 : f32
    %add3A_9 = vector.broadcast %add3A_8 : f32 to vector<16xf32>
    %add3A_10 = arith.addf %add3A_9, %exp3A : vector<16xf32>
    %div3A = arith.constant 1.000000e+00 : f32
    %div3A_11 = vector.broadcast %div3A : f32 to vector<16xf32>
    %div3A_12 = arith.divf %div3A_11, %add3A_10 : vector<16xf32>
    %swap3A = arith.constant 0 : index
    %swap3A_13 = tpu.vector_load %arg11[%swap3A] {strides = array<i32>} : memref<128xf32, #tpu.memory_space<vmem>>, vector<16xf32>,
    tpu.vector_store %arg11[%swap3A], %div3A_12 {strides = array<i32>} : memref<128xf32, #tpu.memory_space<vmem>>, vector<16xf32>,
    %get3A_14 = arith.constant 16 : index
    %get3A_15 = tpu.vector_load %arg9[%get3A_14] {strides = array<i32>} : memref<128xi32, #tpu.memory_space<vmem>>, vector<16xi32>,
    %get3A_16 = arith.constant 16 : index
    %get3A_17 = tpu.vector_load %arg10[%get3A_16] {strides = array<i32>} : memref<128xi32, #tpu.memory_space<vmem>>, vector<16xi32>,
    %gather3A_18 = tpu.vector_load_idx %arg7[%get3A_15] : memref<10112xf32, #tpu.memory_space<vmem>>[vector<16xi32>], vector<16xf32>,
    %gather3A_19 = tpu.vector_load_idx %arg8[%get3A_17] : memref<10112xf32, #tpu.memory_space<vmem>>[vector<16xi32>], vector<16xf32>,
    %add3A_20 = arith.addf %gather3A_18, %gather3A_19 : vector<16xf32>
    %neg3A_21 = arith.constant 0.000000e+00 : f32
    %neg3A_22 = vector.broadcast %neg3A_21 : f32 to vector<16xf32>
    %neg3A_23 = arith.subf %neg3A_22, %add3A_20 : vector<16xf32>
    %exp3A_24 = math.exp %neg3A_23 : vector<16xf32>
    %add3A_25 = arith.constant 1.000000e+00 : f32
    %add3A_26 = vector.broadcast %add3A_25 : f32 to vector<16xf32>
    %add3A_27 = arith.addf %add3A_26, %exp3A_24 : vector<16xf32>
    %div3A_28 = arith.constant 1.000000e+00 : f32
    %div3A_29 = vector.broadcast %div3A_28 : f32 to vector<16xf32>
    %div3A_30 = arith.divf %div3A_29, %add3A_27 : vector<16xf32>
    %swap3A_31 = arith.constant 16 : index
    %swap3A_32 = tpu.vector_load %arg11[%swap3A_31] {strides = array<i32>} : memref<128xf32, #tpu.memory_space<vmem>>, vector<16xf32>,
    tpu.vector_store %arg11[%swap3A_31], %div3A_30 {strides = array<i32>} : memref<128xf32, #tpu.memory_space<vmem>>, vector<16xf32>,
    %get3A_33 = arith.constant 32 : index
    %get3A_34 = tpu.vector_load %arg9[%get3A_33] {strides = array<i32>} : memref<128xi32, #tpu.memory_space<vmem>>, vector<16xi32>,
    %get3A_35 = arith.constant 32 : index
    %get3A_36 = tpu.vector_load %arg10[%get3A_35] {strides = array<i32>} : memref<128xi32, #tpu.memory_space<vmem>>, vector<16xi32>,
    %gather3A_37 = tpu.vector_load_idx %arg7[%get3A_34] : memref<10112xf32, #tpu.memory_space<vmem>>[vector<16xi32>], vector<16xf32>,
    %gather3A_38 = tpu.vector_load_idx %arg8[%get3A_36] : memref<10112xf32, #tpu.memory_space<vmem>>[vector<16xi32>], vector<16xf32>,
    %add3A_39 = arith.addf %gather3A_37, %gather3A_38 : vector<16xf32>
    %neg3A_40 = arith.constant 0.000000e+00 : f32
    %neg3A_41 = vector.broadcast %neg3A_40 : f32 to vector<16xf32>
    %neg3A_42 = arith.subf %neg3A_41, %add3A_39 : vector<16xf32>
    %exp3A_43 = math.exp %neg3A_42 : vector<16xf32>
    %add3A_44 = arith.constant 1.000000e+00 : f32
    %add3A_45 = vector.broadcast %add3A_44 : f32 to vector<16xf32>
    %add3A_46 = arith.addf %add3A_45, %exp3A_43 : vector<16xf32>
    %div3A_47 = arith.constant 1.000000e+00 : f32
    %div3A_48 = vector.broadcast %div3A_47 : f32 to vector<16xf32>
    %div3A_49 = arith.divf %div3A_48, %add3A_46 : vector<16xf32>
    %swap3A_50 = arith.constant 32 : index
    %swap3A_51 = tpu.vector_load %arg11[%swap3A_50] {strides = array<i32>} : memref<128xf32, #tpu.memory_space<vmem>>, vector<16xf32>,
    tpu.vector_store %arg11[%swap3A_50], %div3A_49 {strides = array<i32>} : memref<128xf32, #tpu.memory_space<vmem>>, vector<16xf32>,
    %get3A_52 = arith.constant 48 : index
    %get3A_53 = tpu.vector_load %arg9[%get3A_52] {strides = array<i32>} : memref<128xi32, #tpu.memory_space<vmem>>, vector<16xi32>,
    %get3A_54 = arith.constant 48 : index
    %get3A_55 = tpu.vector_load %arg10[%get3A_54] {strides = array<i32>} : memref<128xi32, #tpu.memory_space<vmem>>, vector<16xi32>,
    %gather3A_56 = tpu.vector_load_idx %arg7[%get3A_53] : memref<10112xf32, #tpu.memory_space<vmem>>[vector<16xi32>], vector<16xf32>,
    %gather3A_57 = tpu.vector_load_idx %arg8[%get3A_55] : memref<10112xf32, #tpu.memory_space<vmem>>[vector<16xi32>], vector<16xf32>,
    %add3A_58 = arith.addf %gather3A_56, %gather3A_57 : vector<16xf32>
    %neg3A_59 = arith.constant 0.000000e+00 : f32
    %neg3A_60 = vector.broadcast %neg3A_59 : f32 to vector<16xf32>
    %neg3A_61 = arith.subf %neg3A_60, %add3A_58 : vector<16xf32>
    %exp3A_62 = math.exp %neg3A_61 : vector<16xf32>
    %add3A_63 = arith.constant 1.000000e+00 : f32
    %add3A_64 = vector.broadcast %add3A_63 : f32 to vector<16xf32>
    %add3A_65 = arith.addf %add3A_64, %exp3A_62 : vector<16xf32>
    %div3A_66 = arith.constant 1.000000e+00 : f32
    %div3A_67 = vector.broadcast %div3A_66 : f32 to vector<16xf32>
    %div3A_68 = arith.divf %div3A_67, %add3A_65 : vector<16xf32>
    %swap3A_69 = arith.constant 48 : index
    %swap3A_70 = tpu.vector_load %arg11[%swap3A_69] {strides = array<i32>} : memref<128xf32, #tpu.memory_space<vmem>>, vector<16xf32>,
    tpu.vector_store %arg11[%swap3A_69], %div3A_68 {strides = array<i32>} : memref<128xf32, #tpu.memory_space<vmem>>, vector<16xf32>,
    %get3A_71 = arith.constant 64 : index
    %get3A_72 = tpu.vector_load %arg9[%get3A_71] {strides = array<i32>} : memref<128xi32, #tpu.memory_space<vmem>>, vector<16xi32>,
    %get3A_73 = arith.constant 64 : index
    %get3A_74 = tpu.vector_load %arg10[%get3A_73] {strides = array<i32>} : memref<128xi32, #tpu.memory_space<vmem>>, vector<16xi32>,
    %gather3A_75 = tpu.vector_load_idx %arg7[%get3A_72] : memref<10112xf32, #tpu.memory_space<vmem>>[vector<16xi32>], vector<16xf32>,
    %gather3A_76 = tpu.vector_load_idx %arg8[%get3A_74] : memref<10112xf32, #tpu.memory_space<vmem>>[vector<16xi32>], vector<16xf32>,
    %add3A_77 = arith.addf %gather3A_75, %gather3A_76 : vector<16xf32>
    %neg3A_78 = arith.constant 0.000000e+00 : f32
    %neg3A_79 = vector.broadcast %neg3A_78 : f32 to vector<16xf32>
    %neg3A_80 = arith.subf %neg3A_79, %add3A_77 : vector<16xf32>
    %exp3A_81 = math.exp %neg3A_80 : vector<16xf32>
    %add3A_82 = arith.constant 1.000000e+00 : f32
    %add3A_83 = vector.broadcast %add3A_82 : f32 to vector<16xf32>
    %add3A_84 = arith.addf %add3A_83, %exp3A_81 : vector<16xf32>
    %div3A_85 = arith.constant 1.000000e+00 : f32
    %div3A_86 = vector.broadcast %div3A_85 : f32 to vector<16xf32>
    %div3A_87 = arith.divf %div3A_86, %add3A_84 : vector<16xf32>
    %swap3A_88 = arith.constant 64 : index
    %swap3A_89 = tpu.vector_load %arg11[%swap3A_88] {strides = array<i32>} : memref<128xf32, #tpu.memory_space<vmem>>, vector<16xf32>,
    tpu.vector_store %arg11[%swap3A_88], %div3A_87 {strides = array<i32>} : memref<128xf32, #tpu.memory_space<vmem>>, vector<16xf32>,
    %get3A_90 = arith.constant 80 : index
    %get3A_91 = tpu.vector_load %arg9[%get3A_90] {strides = array<i32>} : memref<128xi32, #tpu.memory_space<vmem>>, vector<16xi32>,
    %get3A_92 = arith.constant 80 : index
    %get3A_93 = tpu.vector_load %arg10[%get3A_92] {strides = array<i32>} : memref<128xi32, #tpu.memory_space<vmem>>, vector<16xi32>,
    %gather3A_94 = tpu.vector_load_idx %arg7[%get3A_91] : memref<10112xf32, #tpu.memory_space<vmem>>[vector<16xi32>], vector<16xf32>,
    %gather3A_95 = tpu.vector_load_idx %arg8[%get3A_93] : memref<10112xf32, #tpu.memory_space<vmem>>[vector<16xi32>], vector<16xf32>,
    %add3A_96 = arith.addf %gather3A_94, %gather3A_95 : vector<16xf32>
    %neg3A_97 = arith.constant 0.000000e+00 : f32
    %neg3A_98 = vector.broadcast %neg3A_97 : f32 to vector<16xf32>
    %neg3A_99 = arith.subf %neg3A_98, %add3A_96 : vector<16xf32>
    %exp3A_100 = math.exp %neg3A_99 : vector<16xf32>
    %add3A_101 = arith.constant 1.000000e+00 : f32
    %add3A_102 = vector.broadcast %add3A_101 : f32 to vector<16xf32>
    %add3A_103 = arith.addf %add3A_102, %exp3A_100 : vector<16xf32>
    %div3A_104 = arith.constant 1.000000e+00 : f32
    %div3A_105 = vector.broadcast %div3A_104 : f32 to vector<16xf32>
    %div3A_106 = arith.divf %div3A_105, %add3A_103 : vector<16xf32>
    %swap3A_107 = arith.constant 80 : index
    %swap3A_108 = tpu.vector_load %arg11[%swap3A_107] {strides = array<i32>} : memref<128xf32, #tpu.memory_space<vmem>>, vector<16xf32>,
    tpu.vector_store %arg11[%swap3A_107], %div3A_106 {strides = array<i32>} : memref<128xf32, #tpu.memory_space<vmem>>, vector<16xf32>,
    %get3A_109 = arith.constant 96 : index
    %get3A_110 = tpu.vector_load %arg9[%get3A_109] {strides = array<i32>} : memref<128xi32, #tpu.memory_space<vmem>>, vector<16xi32>,
    %get3A_111 = arith.constant 96 : index
    %get3A_112 = tpu.vector_load %arg10[%get3A_111] {strides = array<i32>} : memref<128xi32, #tpu.memory_space<vmem>>, vector<16xi32>,
    %gather3A_113 = tpu.vector_load_idx %arg7[%get3A_110] : memref<10112xf32, #tpu.memory_space<vmem>>[vector<16xi32>], vector<16xf32>,
    %gather3A_114 = tpu.vector_load_idx %arg8[%get3A_112] : memref<10112xf32, #tpu.memory_space<vmem>>[vector<16xi32>], vector<16xf32>,
    %add3A_115 = arith.addf %gather3A_113, %gather3A_114 : vector<16xf32>
    %neg3A_116 = arith.constant 0.000000e+00 : f32
    %neg3A_117 = vector.broadcast %neg3A_116 : f32 to vector<16xf32>
    %neg3A_118 = arith.subf %neg3A_117, %add3A_115 : vector<16xf32>
    %exp3A_119 = math.exp %neg3A_118 : vector<16xf32>
    %add3A_120 = arith.constant 1.000000e+00 : f32
    %add3A_121 = vector.broadcast %add3A_120 : f32 to vector<16xf32>
    %add3A_122 = arith.addf %add3A_121, %exp3A_119 : vector<16xf32>
    %div3A_123 = arith.constant 1.000000e+00 : f32
    %div3A_124 = vector.broadcast %div3A_123 : f32 to vector<16xf32>
    %div3A_125 = arith.divf %div3A_124, %add3A_122 : vector<16xf32>
    %swap3A_126 = arith.constant 96 : index
    %swap3A_127 = tpu.vector_load %arg11[%swap3A_126] {strides = array<i32>} : memref<128xf32, #tpu.memory_space<vmem>>, vector<16xf32>,
    tpu.vector_store %arg11[%swap3A_126], %div3A_125 {strides = array<i32>} : memref<128xf32, #tpu.memory_space<vmem>>, vector<16xf32>,
    %get3A_128 = arith.constant 112 : index
    %get3A_129 = tpu.vector_load %arg9[%get3A_128] {strides = array<i32>} : memref<128xi32, #tpu.memory_space<vmem>>, vector<16xi32>,
    %get3A_130 = arith.constant 112 : index
    %get3A_131 = tpu.vector_load %arg10[%get3A_130] {strides = array<i32>} : memref<128xi32, #tpu.memory_space<vmem>>, vector<16xi32>,
    %gather3A_132 = tpu.vector_load_idx %arg7[%get3A_129] : memref<10112xf32, #tpu.memory_space<vmem>>[vector<16xi32>], vector<16xf32>,
    %gather3A_133 = tpu.vector_load_idx %arg8[%get3A_131] : memref<10112xf32, #tpu.memory_space<vmem>>[vector<16xi32>], vector<16xf32>,
    %add3A_134 = arith.addf %gather3A_132, %gather3A_133 : vector<16xf32>
    %neg3A_135 = arith.constant 0.000000e+00 : f32
    %neg3A_136 = vector.broadcast %neg3A_135 : f32 to vector<16xf32>
    %neg3A_137 = arith.subf %neg3A_136, %add3A_134 : vector<16xf32>
    %exp3A_138 = math.exp %neg3A_137 : vector<16xf32>
    %add3A_139 = arith.constant 1.000000e+00 : f32
    %add3A_140 = vector.broadcast %add3A_139 : f32 to vector<16xf32>
    %add3A_141 = arith.addf %add3A_140, %exp3A_138 : vector<16xf32>
    %div3A_142 = arith.constant 1.000000e+00 : f32
    %div3A_143 = vector.broadcast %div3A_142 : f32 to vector<16xf32>
    %div3A_144 = arith.divf %div3A_143, %add3A_141 : vector<16xf32>
    %swap3A_145 = arith.constant 112 : index
    %swap3A_146 = tpu.vector_load %arg11[%swap3A_145] {strides = array<i32>} : memref<128xf32, #tpu.memory_space<vmem>>, vector<16xf32>,
    tpu.vector_store %arg11[%swap3A_145], %div3A_144 {strides = array<i32>} : memref<128xf32, #tpu.memory_space<vmem>>, vector<16xf32>,
    "tpu.region"() ({
      %run_scoped3A = tpu.sem_alloc : memref<!tpu.dma_semaphore, #tpu.memory_space<semaphore_mem>>
      %dma_start3A = arith.constant 0 : i32
      %dma_start3A_147 = tpu.memref_slice %arg6[%add3A, %dma_start3A] : memref<32x128xf32, #tpu.memory_space<hbm>> -> memref<1x128xf32, #tpu.memory_space<hbm>>
      %dma_start3A_148 = tpu.memref_squeeze %dma_start3A_147 : memref<1x128xf32, #tpu.memory_space<hbm>> -> memref<128xf32, #tpu.memory_space<hbm>>
      %dma_start3A_149 = arith.constant 0 : i32
      %dma_start3A_150 = tpu.memref_slice %arg6[%add3A, %dma_start3A_149] : memref<32x128xf32, #tpu.memory_space<hbm>> -> memref<1x128xf32, #tpu.memory_space<hbm>>
      %dma_start3A_151 = tpu.memref_squeeze %dma_start3A_150 : memref<1x128xf32, #tpu.memory_space<hbm>> -> memref<128xf32, #tpu.memory_space<hbm>>
      tpu.enqueue_dma source(%arg11 : memref<128xf32, #tpu.memory_space<vmem>>) target(%dma_start3A_151 : memref<128xf32, #tpu.memory_space<hbm>>) target_semaphore(%run_scoped3A : memref<!tpu.dma_semaphore, #tpu.memory_space<semaphore_mem>>)
      %dma_wait3A = arith.constant 0 : i32
      %dma_wait3A_152 = tpu.memref_slice %arg6[%add3A, %dma_wait3A] : memref<32x128xf32, #tpu.memory_space<hbm>> -> memref<1x128xf32, #tpu.memory_space<hbm>>
      %dma_wait3A_153 = tpu.memref_squeeze %dma_wait3A_152 : memref<1x128xf32, #tpu.memory_space<hbm>> -> memref<128xf32, #tpu.memory_space<hbm>>
      %dma_wait3A_154 = arith.constant 0 : i32
      %dma_wait3A_155 = tpu.memref_slice %arg6[%add3A, %dma_wait3A_154] : memref<32x128xf32, #tpu.memory_space<hbm>> -> memref<1x128xf32, #tpu.memory_space<hbm>>
      %dma_wait3A_156 = tpu.memref_squeeze %dma_wait3A_155 : memref<1x128xf32, #tpu.memory_space<hbm>> -> memref<128xf32, #tpu.memory_space<hbm>>
      tpu.wait_dma2 semaphore(%run_scoped3A : memref<!tpu.dma_semaphore, #tpu.memory_space<semaphore_mem>>) src(%arg11 : memref<128xf32, #tpu.memory_space<vmem>>) dst(%dma_wait3A_156 : memref<128xf32, #tpu.memory_space<hbm>>)
      tpu.yield
    }) : () -> ()
    return
  }
}

#map = affine_map<(d0, d1) -> (0, 0)>
#map1 = affine_map<(d0, d1) -> (0, 0, 0, 0)>
module attributes {stable_mosaic.version = 14 : i64} {
  func.func @_edge_body(%arg0: i32, %arg1: i32, %arg2: memref<10112x144xf32, #tpu.memory_space<hbm>>, %arg3: memref<10112x144xf32, #tpu.memory_space<hbm>>, %arg4: memref<16x7x21x128xi32, #tpu.memory_space<hbm>>, %arg5: memref<16x7x21x128xi32, #tpu.memory_space<hbm>>, %arg6: memref<16x7x21x128xi32, #tpu.memory_space<hbm>>, %arg7: memref<16x7x21x128xi32, #tpu.memory_space<hbm>>, %arg8: memref<632x144xf32, #tpu.memory_space<hbm>>, %arg9: memref<10112x144xf32, #tpu.memory_space<hbm>>, %arg10: memref<10112x144xf32, #tpu.memory_space<hbm>>, %arg11: memref<10112x144xf32, #tpu.memory_space<vmem_shared>>, %arg12: memref<21x128xi32, #tpu.memory_space<vmem>>, %arg13: memref<21x128xi32, #tpu.memory_space<vmem>>, %arg14: memref<128x144xf32, #tpu.memory_space<vmem>>, %arg15: memref<!tpu.dma_semaphore, #tpu.memory_space<semaphore_mem>>) attributes {dimension_semantics = [#tpu.dimension_semantics<core_parallel>, #tpu.dimension_semantics<subcore_parallel>], iteration_bounds = array<i64: 2, 16>, scalar_prefetch = 0 : i64, scratch_operands = 5 : i64, tpu.core_type = #tpu.core_type<sc_vector_subcore>, window_params = [{transform_indices = #map}, {transform_indices = #map}, {transform_indices = #map1}, {transform_indices = #map1}, {transform_indices = #map1}, {transform_indices = #map1}, {transform_indices = #map}, {transform_indices = #map}, {transform_indices = #map}]} {
    %eq3A = arith.constant 0 : i32
    %eq3A_0 = arith.cmpi eq, %arg0, %eq3A : i32
    %convert_element_type3A = arith.extui %eq3A_0 : i1 to i32
    %cond3A = arith.constant 0 : i32
    %cond3A_1 = arith.cmpi ne, %convert_element_type3A, %cond3A : i32
    scf.if %cond3A_1 {
      %mul3A = arith.constant 632 : i32
      %mul3A_7 = arith.muli %arg1, %mul3A : i32
      "tpu.region"() ({
        %run_scoped3A = tpu.sem_alloc : memref<!tpu.dma_semaphore, #tpu.memory_space<semaphore_mem>>
        %dma_start3A = arith.constant 0 : i32
        %dma_start3A_18 = tpu.memref_slice %arg11[%mul3A_7, %dma_start3A] : memref<10112x144xf32, #tpu.memory_space<vmem_shared>> -> memref<632x144xf32, #tpu.memory_space<vmem_shared>>
        tpu.enqueue_dma source(%arg8 : memref<632x144xf32, #tpu.memory_space<hbm>>) target(%dma_start3A_18 : memref<632x144xf32, #tpu.memory_space<vmem_shared>>) target_semaphore(%run_scoped3A : memref<!tpu.dma_semaphore, #tpu.memory_space<semaphore_mem>>)
        %dma_wait3A = arith.constant 0 : i32
        %dma_wait3A_19 = tpu.memref_slice %arg11[%mul3A_7, %dma_wait3A] : memref<10112x144xf32, #tpu.memory_space<vmem_shared>> -> memref<632x144xf32, #tpu.memory_space<vmem_shared>>
        tpu.wait_dma2 semaphore(%run_scoped3A : memref<!tpu.dma_semaphore, #tpu.memory_space<semaphore_mem>>) src(%arg8 : memref<632x144xf32, #tpu.memory_space<hbm>>) dst(%dma_wait3A_19 : memref<632x144xf32, #tpu.memory_space<vmem_shared>>)
        tpu.yield
      }) : () -> ()
      %barrier3A = arith.constant 0 : index
      tpu.barrier barrier_id(%barrier3A)
      %scan3A = arith.constant 0 : i32
      %scan3A_8 = arith.constant 0 : i32
      %scan3A_9 = arith.constant 7 : i32
      %scan3A_10 = arith.addi %scan3A_8, %scan3A_9 : i32
      %scan3A_11 = arith.constant 1 : i32
      scf.for %scan3A_18 = %scan3A_8 to %scan3A_10 step %scan3A_11  : i32 {
        "tpu.region"() ({
          %run_scoped3A = tpu.sem_alloc : memref<!tpu.dma_semaphore, #tpu.memory_space<semaphore_mem>>
          %dma_start3A = arith.constant 0 : i32
          %dma_start3A_25 = arith.constant 0 : i32
          %dma_start3A_26 = tpu.memref_slice %arg4[%arg1, %scan3A_18, %dma_start3A, %dma_start3A_25] : memref<16x7x21x128xi32, #tpu.memory_space<hbm>> -> memref<1x1x21x128xi32, #tpu.memory_space<hbm>>
          %dma_start3A_27 = tpu.memref_squeeze %dma_start3A_26 : memref<1x1x21x128xi32, #tpu.memory_space<hbm>> -> memref<21x128xi32, #tpu.memory_space<hbm>>
          %dma_start3A_28 = arith.constant 0 : i32
          %dma_start3A_29 = arith.constant 0 : i32
          %dma_start3A_30 = tpu.memref_slice %arg4[%arg1, %scan3A_18, %dma_start3A_28, %dma_start3A_29] : memref<16x7x21x128xi32, #tpu.memory_space<hbm>> -> memref<1x1x21x128xi32, #tpu.memory_space<hbm>>
          %dma_start3A_31 = tpu.memref_squeeze %dma_start3A_30 : memref<1x1x21x128xi32, #tpu.memory_space<hbm>> -> memref<21x128xi32, #tpu.memory_space<hbm>>
          tpu.enqueue_dma source(%dma_start3A_31 : memref<21x128xi32, #tpu.memory_space<hbm>>) target(%arg12 : memref<21x128xi32, #tpu.memory_space<vmem>>) target_semaphore(%run_scoped3A : memref<!tpu.dma_semaphore, #tpu.memory_space<semaphore_mem>>)
          %dma_wait3A = arith.constant 0 : i32
          %dma_wait3A_32 = arith.constant 0 : i32
          %dma_wait3A_33 = tpu.memref_slice %arg4[%arg1, %scan3A_18, %dma_wait3A, %dma_wait3A_32] : memref<16x7x21x128xi32, #tpu.memory_space<hbm>> -> memref<1x1x21x128xi32, #tpu.memory_space<hbm>>
          %dma_wait3A_34 = tpu.memref_squeeze %dma_wait3A_33 : memref<1x1x21x128xi32, #tpu.memory_space<hbm>> -> memref<21x128xi32, #tpu.memory_space<hbm>>
          %dma_wait3A_35 = arith.constant 0 : i32
          %dma_wait3A_36 = arith.constant 0 : i32
          %dma_wait3A_37 = tpu.memref_slice %arg4[%arg1, %scan3A_18, %dma_wait3A_35, %dma_wait3A_36] : memref<16x7x21x128xi32, #tpu.memory_space<hbm>> -> memref<1x1x21x128xi32, #tpu.memory_space<hbm>>
          %dma_wait3A_38 = tpu.memref_squeeze %dma_wait3A_37 : memref<1x1x21x128xi32, #tpu.memory_space<hbm>> -> memref<21x128xi32, #tpu.memory_space<hbm>>
          tpu.wait_dma2 semaphore(%run_scoped3A : memref<!tpu.dma_semaphore, #tpu.memory_space<semaphore_mem>>) src(%dma_wait3A_38 : memref<21x128xi32, #tpu.memory_space<hbm>>) dst(%arg12 : memref<21x128xi32, #tpu.memory_space<vmem>>)
          tpu.yield
        }) : () -> ()
        "tpu.region"() ({
          %run_scoped3A = tpu.sem_alloc : memref<!tpu.dma_semaphore, #tpu.memory_space<semaphore_mem>>
          %dma_start3A = arith.constant 0 : i32
          %dma_start3A_25 = arith.constant 0 : i32
          %dma_start3A_26 = tpu.memref_slice %arg5[%arg1, %scan3A_18, %dma_start3A, %dma_start3A_25] : memref<16x7x21x128xi32, #tpu.memory_space<hbm>> -> memref<1x1x21x128xi32, #tpu.memory_space<hbm>>
          %dma_start3A_27 = tpu.memref_squeeze %dma_start3A_26 : memref<1x1x21x128xi32, #tpu.memory_space<hbm>> -> memref<21x128xi32, #tpu.memory_space<hbm>>
          %dma_start3A_28 = arith.constant 0 : i32
          %dma_start3A_29 = arith.constant 0 : i32
          %dma_start3A_30 = tpu.memref_slice %arg5[%arg1, %scan3A_18, %dma_start3A_28, %dma_start3A_29] : memref<16x7x21x128xi32, #tpu.memory_space<hbm>> -> memref<1x1x21x128xi32, #tpu.memory_space<hbm>>
          %dma_start3A_31 = tpu.memref_squeeze %dma_start3A_30 : memref<1x1x21x128xi32, #tpu.memory_space<hbm>> -> memref<21x128xi32, #tpu.memory_space<hbm>>
          tpu.enqueue_dma source(%dma_start3A_31 : memref<21x128xi32, #tpu.memory_space<hbm>>) target(%arg13 : memref<21x128xi32, #tpu.memory_space<vmem>>) target_semaphore(%run_scoped3A : memref<!tpu.dma_semaphore, #tpu.memory_space<semaphore_mem>>)
          %dma_wait3A = arith.constant 0 : i32
          %dma_wait3A_32 = arith.constant 0 : i32
          %dma_wait3A_33 = tpu.memref_slice %arg5[%arg1, %scan3A_18, %dma_wait3A, %dma_wait3A_32] : memref<16x7x21x128xi32, #tpu.memory_space<hbm>> -> memref<1x1x21x128xi32, #tpu.memory_space<hbm>>
          %dma_wait3A_34 = tpu.memref_squeeze %dma_wait3A_33 : memref<1x1x21x128xi32, #tpu.memory_space<hbm>> -> memref<21x128xi32, #tpu.memory_space<hbm>>
          %dma_wait3A_35 = arith.constant 0 : i32
          %dma_wait3A_36 = arith.constant 0 : i32
          %dma_wait3A_37 = tpu.memref_slice %arg5[%arg1, %scan3A_18, %dma_wait3A_35, %dma_wait3A_36] : memref<16x7x21x128xi32, #tpu.memory_space<hbm>> -> memref<1x1x21x128xi32, #tpu.memory_space<hbm>>
          %dma_wait3A_38 = tpu.memref_squeeze %dma_wait3A_37 : memref<1x1x21x128xi32, #tpu.memory_space<hbm>> -> memref<21x128xi32, #tpu.memory_space<hbm>>
          tpu.wait_dma2 semaphore(%run_scoped3A : memref<!tpu.dma_semaphore, #tpu.memory_space<semaphore_mem>>) src(%dma_wait3A_38 : memref<21x128xi32, #tpu.memory_space<hbm>>) dst(%arg13 : memref<21x128xi32, #tpu.memory_space<vmem>>)
          tpu.yield
        }) : () -> ()
        %scan3A_19 = arith.constant 0 : i32
        %scan3A_20 = arith.constant 0 : i32
        %scan3A_21 = arith.constant 21 : i32
        %scan3A_22 = arith.addi %scan3A_20, %scan3A_21 : i32
        %scan3A_23 = arith.constant 1 : i32
        scf.for %scan3A_25 = %scan3A_20 to %scan3A_22 step %scan3A_23  : i32 {
          %dma_start3A = arith.constant 0 : i32
          %dma_start3A_26 = tpu.memref_slice %arg12[%scan3A_25, %dma_start3A] : memref<21x128xi32, #tpu.memory_space<vmem>> -> memref<1x128xi32, #tpu.memory_space<vmem>>
          %dma_start3A_27 = tpu.memref_squeeze %dma_start3A_26 : memref<1x128xi32, #tpu.memory_space<vmem>> -> memref<128xi32, #tpu.memory_space<vmem>>
          %dma_start3A_28 = arith.constant 0 : i32
          %dma_start3A_29 = arith.constant 0 : i32
          %dma_start3A_30 = tpu.memref_slice %arg2[%dma_start3A_28, %dma_start3A_29] : memref<10112x144xf32, #tpu.memory_space<hbm>> -> memref<10112x144xf32, #tpu.memory_space<hbm>>
          tpu.enqueue_indirect_dma source(%dma_start3A_30 : memref<10112x144xf32, #tpu.memory_space<hbm>>) target(%arg14 : memref<128x144xf32, #tpu.memory_space<vmem>>) offsets(%dma_start3A_27 : memref<128xi32, #tpu.memory_space<vmem>>) semaphore(%arg15 : memref<!tpu.dma_semaphore, #tpu.memory_space<semaphore_mem>>)
          %dma_wait3A = arith.constant 0 : i32
          %dma_wait3A_31 = tpu.memref_slice %arg12[%scan3A_25, %dma_wait3A] : memref<21x128xi32, #tpu.memory_space<vmem>> -> memref<1x128xi32, #tpu.memory_space<vmem>>
          %dma_wait3A_32 = tpu.memref_squeeze %dma_wait3A_31 : memref<1x128xi32, #tpu.memory_space<vmem>> -> memref<128xi32, #tpu.memory_space<vmem>>
          %dma_wait3A_33 = arith.constant 0 : i32
          %dma_wait3A_34 = arith.constant 0 : i32
          %dma_wait3A_35 = tpu.memref_slice %arg2[%dma_wait3A_33, %dma_wait3A_34] : memref<10112x144xf32, #tpu.memory_space<hbm>> -> memref<10112x144xf32, #tpu.memory_space<hbm>>
          tpu.wait_indirect_dma semaphore(%arg15 : memref<!tpu.dma_semaphore, #tpu.memory_space<semaphore_mem>>) src(%dma_wait3A_35 : memref<10112x144xf32, #tpu.memory_space<hbm>>) dst(%arg14 : memref<128x144xf32, #tpu.memory_space<vmem>>)
          "tpu.region"() ({
            %run_scoped3A = tpu.sem_alloc : memref<!tpu.dma_semaphore, #tpu.memory_space<semaphore_mem>>
            %dma_start3A_36 = arith.constant 0 : i32
            %dma_start3A_37 = tpu.memref_slice %arg13[%scan3A_25, %dma_start3A_36] : memref<21x128xi32, #tpu.memory_space<vmem>> -> memref<1x128xi32, #tpu.memory_space<vmem>>
            %dma_start3A_38 = tpu.memref_squeeze %dma_start3A_37 : memref<1x128xi32, #tpu.memory_space<vmem>> -> memref<128xi32, #tpu.memory_space<vmem>>
            %dma_start3A_39 = arith.constant 0 : i32
            %dma_start3A_40 = arith.constant 0 : i32
            %dma_start3A_41 = tpu.memref_slice %arg11[%dma_start3A_39, %dma_start3A_40] : memref<10112x144xf32, #tpu.memory_space<vmem_shared>> -> memref<10112x144xf32, #tpu.memory_space<vmem_shared>>
            tpu.enqueue_indirect_dma source(%arg14 : memref<128x144xf32, #tpu.memory_space<vmem>>) target(%dma_start3A_41 : memref<10112x144xf32, #tpu.memory_space<vmem_shared>>) offsets(%dma_start3A_38 : memref<128xi32, #tpu.memory_space<vmem>>) semaphore(%run_scoped3A : memref<!tpu.dma_semaphore, #tpu.memory_space<semaphore_mem>>) {add = true}
            %dma_wait3A_42 = arith.constant 0 : i32
            %dma_wait3A_43 = tpu.memref_slice %arg13[%scan3A_25, %dma_wait3A_42] : memref<21x128xi32, #tpu.memory_space<vmem>> -> memref<1x128xi32, #tpu.memory_space<vmem>>
            %dma_wait3A_44 = tpu.memref_squeeze %dma_wait3A_43 : memref<1x128xi32, #tpu.memory_space<vmem>> -> memref<128xi32, #tpu.memory_space<vmem>>
            %dma_wait3A_45 = arith.constant 0 : i32
            %dma_wait3A_46 = arith.constant 0 : i32
            %dma_wait3A_47 = tpu.memref_slice %arg11[%dma_wait3A_45, %dma_wait3A_46] : memref<10112x144xf32, #tpu.memory_space<vmem_shared>> -> memref<10112x144xf32, #tpu.memory_space<vmem_shared>>
            tpu.wait_indirect_dma semaphore(%run_scoped3A : memref<!tpu.dma_semaphore, #tpu.memory_space<semaphore_mem>>) src(%arg14 : memref<128x144xf32, #tpu.memory_space<vmem>>) dst(%dma_wait3A_47 : memref<10112x144xf32, #tpu.memory_space<vmem_shared>>)
            tpu.yield
          }) : () -> ()
        }
        %scan3A_24 = arith.constant 21 : i32
      }
      %scan3A_12 = arith.constant 7 : i32
      %barrier3A_13 = arith.constant 0 : index
      tpu.barrier barrier_id(%barrier3A_13)
      %mul3A_14 = arith.constant 632 : i32
      %mul3A_15 = arith.muli %arg1, %mul3A_14 : i32
      %mul3A_16 = arith.constant 632 : i32
      %mul3A_17 = arith.muli %arg1, %mul3A_16 : i32
      "tpu.region"() ({
        %run_scoped3A = tpu.sem_alloc : memref<!tpu.dma_semaphore, #tpu.memory_space<semaphore_mem>>
        %dma_start3A = arith.constant 0 : i32
        %dma_start3A_18 = tpu.memref_slice %arg9[%mul3A_17, %dma_start3A] : memref<10112x144xf32, #tpu.memory_space<hbm>> -> memref<632x144xf32, #tpu.memory_space<hbm>>
        %dma_start3A_19 = arith.constant 0 : i32
        %dma_start3A_20 = tpu.memref_slice %arg11[%mul3A_15, %dma_start3A_19] : memref<10112x144xf32, #tpu.memory_space<vmem_shared>> -> memref<632x144xf32, #tpu.memory_space<vmem_shared>>
        tpu.enqueue_dma source(%dma_start3A_20 : memref<632x144xf32, #tpu.memory_space<vmem_shared>>) target(%dma_start3A_18 : memref<632x144xf32, #tpu.memory_space<hbm>>) target_semaphore(%run_scoped3A : memref<!tpu.dma_semaphore, #tpu.memory_space<semaphore_mem>>)
        %dma_wait3A = arith.constant 0 : i32
        %dma_wait3A_21 = tpu.memref_slice %arg9[%mul3A_17, %dma_wait3A] : memref<10112x144xf32, #tpu.memory_space<hbm>> -> memref<632x144xf32, #tpu.memory_space<hbm>>
        %dma_wait3A_22 = arith.constant 0 : i32
        %dma_wait3A_23 = tpu.memref_slice %arg11[%mul3A_15, %dma_wait3A_22] : memref<10112x144xf32, #tpu.memory_space<vmem_shared>> -> memref<632x144xf32, #tpu.memory_space<vmem_shared>>
        tpu.wait_dma2 semaphore(%run_scoped3A : memref<!tpu.dma_semaphore, #tpu.memory_space<semaphore_mem>>) src(%dma_wait3A_23 : memref<632x144xf32, #tpu.memory_space<vmem_shared>>) dst(%dma_wait3A_21 : memref<632x144xf32, #tpu.memory_space<hbm>>)
        tpu.yield
      }) : () -> ()
    } else {
    }
    %eq3A_2 = arith.constant 1 : i32
    %eq3A_3 = arith.cmpi eq, %arg0, %eq3A_2 : i32
    %convert_element_type3A_4 = arith.extui %eq3A_3 : i1 to i32
    %cond3A_5 = arith.constant 0 : i32
    %cond3A_6 = arith.cmpi ne, %convert_element_type3A_4, %cond3A_5 : i32
    scf.if %cond3A_6 {
      %mul3A = arith.constant 632 : i32
      %mul3A_7 = arith.muli %arg1, %mul3A : i32
      "tpu.region"() ({
        %run_scoped3A = tpu.sem_alloc : memref<!tpu.dma_semaphore, #tpu.memory_space<semaphore_mem>>
        %dma_start3A = arith.constant 0 : i32
        %dma_start3A_18 = tpu.memref_slice %arg11[%mul3A_7, %dma_start3A] : memref<10112x144xf32, #tpu.memory_space<vmem_shared>> -> memref<632x144xf32, #tpu.memory_space<vmem_shared>>
        tpu.enqueue_dma source(%arg8 : memref<632x144xf32, #tpu.memory_space<hbm>>) target(%dma_start3A_18 : memref<632x144xf32, #tpu.memory_space<vmem_shared>>) target_semaphore(%run_scoped3A : memref<!tpu.dma_semaphore, #tpu.memory_space<semaphore_mem>>)
        %dma_wait3A = arith.constant 0 : i32
        %dma_wait3A_19 = tpu.memref_slice %arg11[%mul3A_7, %dma_wait3A] : memref<10112x144xf32, #tpu.memory_space<vmem_shared>> -> memref<632x144xf32, #tpu.memory_space<vmem_shared>>
        tpu.wait_dma2 semaphore(%run_scoped3A : memref<!tpu.dma_semaphore, #tpu.memory_space<semaphore_mem>>) src(%arg8 : memref<632x144xf32, #tpu.memory_space<hbm>>) dst(%dma_wait3A_19 : memref<632x144xf32, #tpu.memory_space<vmem_shared>>)
        tpu.yield
      }) : () -> ()
      %barrier3A = arith.constant 0 : index
      tpu.barrier barrier_id(%barrier3A)
      %scan3A = arith.constant 0 : i32
      %scan3A_8 = arith.constant 0 : i32
      %scan3A_9 = arith.constant 7 : i32
      %scan3A_10 = arith.addi %scan3A_8, %scan3A_9 : i32
      %scan3A_11 = arith.constant 1 : i32
      scf.for %scan3A_18 = %scan3A_8 to %scan3A_10 step %scan3A_11  : i32 {
        "tpu.region"() ({
          %run_scoped3A = tpu.sem_alloc : memref<!tpu.dma_semaphore, #tpu.memory_space<semaphore_mem>>
          %dma_start3A = arith.constant 0 : i32
          %dma_start3A_25 = arith.constant 0 : i32
          %dma_start3A_26 = tpu.memref_slice %arg6[%arg1, %scan3A_18, %dma_start3A, %dma_start3A_25] : memref<16x7x21x128xi32, #tpu.memory_space<hbm>> -> memref<1x1x21x128xi32, #tpu.memory_space<hbm>>
          %dma_start3A_27 = tpu.memref_squeeze %dma_start3A_26 : memref<1x1x21x128xi32, #tpu.memory_space<hbm>> -> memref<21x128xi32, #tpu.memory_space<hbm>>
          %dma_start3A_28 = arith.constant 0 : i32
          %dma_start3A_29 = arith.constant 0 : i32
          %dma_start3A_30 = tpu.memref_slice %arg6[%arg1, %scan3A_18, %dma_start3A_28, %dma_start3A_29] : memref<16x7x21x128xi32, #tpu.memory_space<hbm>> -> memref<1x1x21x128xi32, #tpu.memory_space<hbm>>
          %dma_start3A_31 = tpu.memref_squeeze %dma_start3A_30 : memref<1x1x21x128xi32, #tpu.memory_space<hbm>> -> memref<21x128xi32, #tpu.memory_space<hbm>>
          tpu.enqueue_dma source(%dma_start3A_31 : memref<21x128xi32, #tpu.memory_space<hbm>>) target(%arg12 : memref<21x128xi32, #tpu.memory_space<vmem>>) target_semaphore(%run_scoped3A : memref<!tpu.dma_semaphore, #tpu.memory_space<semaphore_mem>>)
          %dma_wait3A = arith.constant 0 : i32
          %dma_wait3A_32 = arith.constant 0 : i32
          %dma_wait3A_33 = tpu.memref_slice %arg6[%arg1, %scan3A_18, %dma_wait3A, %dma_wait3A_32] : memref<16x7x21x128xi32, #tpu.memory_space<hbm>> -> memref<1x1x21x128xi32, #tpu.memory_space<hbm>>
          %dma_wait3A_34 = tpu.memref_squeeze %dma_wait3A_33 : memref<1x1x21x128xi32, #tpu.memory_space<hbm>> -> memref<21x128xi32, #tpu.memory_space<hbm>>
          %dma_wait3A_35 = arith.constant 0 : i32
          %dma_wait3A_36 = arith.constant 0 : i32
          %dma_wait3A_37 = tpu.memref_slice %arg6[%arg1, %scan3A_18, %dma_wait3A_35, %dma_wait3A_36] : memref<16x7x21x128xi32, #tpu.memory_space<hbm>> -> memref<1x1x21x128xi32, #tpu.memory_space<hbm>>
          %dma_wait3A_38 = tpu.memref_squeeze %dma_wait3A_37 : memref<1x1x21x128xi32, #tpu.memory_space<hbm>> -> memref<21x128xi32, #tpu.memory_space<hbm>>
          tpu.wait_dma2 semaphore(%run_scoped3A : memref<!tpu.dma_semaphore, #tpu.memory_space<semaphore_mem>>) src(%dma_wait3A_38 : memref<21x128xi32, #tpu.memory_space<hbm>>) dst(%arg12 : memref<21x128xi32, #tpu.memory_space<vmem>>)
          tpu.yield
        }) : () -> ()
        "tpu.region"() ({
          %run_scoped3A = tpu.sem_alloc : memref<!tpu.dma_semaphore, #tpu.memory_space<semaphore_mem>>
          %dma_start3A = arith.constant 0 : i32
          %dma_start3A_25 = arith.constant 0 : i32
          %dma_start3A_26 = tpu.memref_slice %arg7[%arg1, %scan3A_18, %dma_start3A, %dma_start3A_25] : memref<16x7x21x128xi32, #tpu.memory_space<hbm>> -> memref<1x1x21x128xi32, #tpu.memory_space<hbm>>
          %dma_start3A_27 = tpu.memref_squeeze %dma_start3A_26 : memref<1x1x21x128xi32, #tpu.memory_space<hbm>> -> memref<21x128xi32, #tpu.memory_space<hbm>>
          %dma_start3A_28 = arith.constant 0 : i32
          %dma_start3A_29 = arith.constant 0 : i32
          %dma_start3A_30 = tpu.memref_slice %arg7[%arg1, %scan3A_18, %dma_start3A_28, %dma_start3A_29] : memref<16x7x21x128xi32, #tpu.memory_space<hbm>> -> memref<1x1x21x128xi32, #tpu.memory_space<hbm>>
          %dma_start3A_31 = tpu.memref_squeeze %dma_start3A_30 : memref<1x1x21x128xi32, #tpu.memory_space<hbm>> -> memref<21x128xi32, #tpu.memory_space<hbm>>
          tpu.enqueue_dma source(%dma_start3A_31 : memref<21x128xi32, #tpu.memory_space<hbm>>) target(%arg13 : memref<21x128xi32, #tpu.memory_space<vmem>>) target_semaphore(%run_scoped3A : memref<!tpu.dma_semaphore, #tpu.memory_space<semaphore_mem>>)
          %dma_wait3A = arith.constant 0 : i32
          %dma_wait3A_32 = arith.constant 0 : i32
          %dma_wait3A_33 = tpu.memref_slice %arg7[%arg1, %scan3A_18, %dma_wait3A, %dma_wait3A_32] : memref<16x7x21x128xi32, #tpu.memory_space<hbm>> -> memref<1x1x21x128xi32, #tpu.memory_space<hbm>>
          %dma_wait3A_34 = tpu.memref_squeeze %dma_wait3A_33 : memref<1x1x21x128xi32, #tpu.memory_space<hbm>> -> memref<21x128xi32, #tpu.memory_space<hbm>>
          %dma_wait3A_35 = arith.constant 0 : i32
          %dma_wait3A_36 = arith.constant 0 : i32
          %dma_wait3A_37 = tpu.memref_slice %arg7[%arg1, %scan3A_18, %dma_wait3A_35, %dma_wait3A_36] : memref<16x7x21x128xi32, #tpu.memory_space<hbm>> -> memref<1x1x21x128xi32, #tpu.memory_space<hbm>>
          %dma_wait3A_38 = tpu.memref_squeeze %dma_wait3A_37 : memref<1x1x21x128xi32, #tpu.memory_space<hbm>> -> memref<21x128xi32, #tpu.memory_space<hbm>>
          tpu.wait_dma2 semaphore(%run_scoped3A : memref<!tpu.dma_semaphore, #tpu.memory_space<semaphore_mem>>) src(%dma_wait3A_38 : memref<21x128xi32, #tpu.memory_space<hbm>>) dst(%arg13 : memref<21x128xi32, #tpu.memory_space<vmem>>)
          tpu.yield
        }) : () -> ()
        %scan3A_19 = arith.constant 0 : i32
        %scan3A_20 = arith.constant 0 : i32
        %scan3A_21 = arith.constant 21 : i32
        %scan3A_22 = arith.addi %scan3A_20, %scan3A_21 : i32
        %scan3A_23 = arith.constant 1 : i32
        scf.for %scan3A_25 = %scan3A_20 to %scan3A_22 step %scan3A_23  : i32 {
          %dma_start3A = arith.constant 0 : i32
          %dma_start3A_26 = tpu.memref_slice %arg12[%scan3A_25, %dma_start3A] : memref<21x128xi32, #tpu.memory_space<vmem>> -> memref<1x128xi32, #tpu.memory_space<vmem>>
          %dma_start3A_27 = tpu.memref_squeeze %dma_start3A_26 : memref<1x128xi32, #tpu.memory_space<vmem>> -> memref<128xi32, #tpu.memory_space<vmem>>
          %dma_start3A_28 = arith.constant 0 : i32
          %dma_start3A_29 = arith.constant 0 : i32
          %dma_start3A_30 = tpu.memref_slice %arg3[%dma_start3A_28, %dma_start3A_29] : memref<10112x144xf32, #tpu.memory_space<hbm>> -> memref<10112x144xf32, #tpu.memory_space<hbm>>
          tpu.enqueue_indirect_dma source(%dma_start3A_30 : memref<10112x144xf32, #tpu.memory_space<hbm>>) target(%arg14 : memref<128x144xf32, #tpu.memory_space<vmem>>) offsets(%dma_start3A_27 : memref<128xi32, #tpu.memory_space<vmem>>) semaphore(%arg15 : memref<!tpu.dma_semaphore, #tpu.memory_space<semaphore_mem>>)
          %dma_wait3A = arith.constant 0 : i32
          %dma_wait3A_31 = tpu.memref_slice %arg12[%scan3A_25, %dma_wait3A] : memref<21x128xi32, #tpu.memory_space<vmem>> -> memref<1x128xi32, #tpu.memory_space<vmem>>
          %dma_wait3A_32 = tpu.memref_squeeze %dma_wait3A_31 : memref<1x128xi32, #tpu.memory_space<vmem>> -> memref<128xi32, #tpu.memory_space<vmem>>
          %dma_wait3A_33 = arith.constant 0 : i32
          %dma_wait3A_34 = arith.constant 0 : i32
          %dma_wait3A_35 = tpu.memref_slice %arg3[%dma_wait3A_33, %dma_wait3A_34] : memref<10112x144xf32, #tpu.memory_space<hbm>> -> memref<10112x144xf32, #tpu.memory_space<hbm>>
          tpu.wait_indirect_dma semaphore(%arg15 : memref<!tpu.dma_semaphore, #tpu.memory_space<semaphore_mem>>) src(%dma_wait3A_35 : memref<10112x144xf32, #tpu.memory_space<hbm>>) dst(%arg14 : memref<128x144xf32, #tpu.memory_space<vmem>>)
          "tpu.region"() ({
            %run_scoped3A = tpu.sem_alloc : memref<!tpu.dma_semaphore, #tpu.memory_space<semaphore_mem>>
            %dma_start3A_36 = arith.constant 0 : i32
            %dma_start3A_37 = tpu.memref_slice %arg13[%scan3A_25, %dma_start3A_36] : memref<21x128xi32, #tpu.memory_space<vmem>> -> memref<1x128xi32, #tpu.memory_space<vmem>>
            %dma_start3A_38 = tpu.memref_squeeze %dma_start3A_37 : memref<1x128xi32, #tpu.memory_space<vmem>> -> memref<128xi32, #tpu.memory_space<vmem>>
            %dma_start3A_39 = arith.constant 0 : i32
            %dma_start3A_40 = arith.constant 0 : i32
            %dma_start3A_41 = tpu.memref_slice %arg11[%dma_start3A_39, %dma_start3A_40] : memref<10112x144xf32, #tpu.memory_space<vmem_shared>> -> memref<10112x144xf32, #tpu.memory_space<vmem_shared>>
            tpu.enqueue_indirect_dma source(%arg14 : memref<128x144xf32, #tpu.memory_space<vmem>>) target(%dma_start3A_41 : memref<10112x144xf32, #tpu.memory_space<vmem_shared>>) offsets(%dma_start3A_38 : memref<128xi32, #tpu.memory_space<vmem>>) semaphore(%run_scoped3A : memref<!tpu.dma_semaphore, #tpu.memory_space<semaphore_mem>>) {add = true}
            %dma_wait3A_42 = arith.constant 0 : i32
            %dma_wait3A_43 = tpu.memref_slice %arg13[%scan3A_25, %dma_wait3A_42] : memref<21x128xi32, #tpu.memory_space<vmem>> -> memref<1x128xi32, #tpu.memory_space<vmem>>
            %dma_wait3A_44 = tpu.memref_squeeze %dma_wait3A_43 : memref<1x128xi32, #tpu.memory_space<vmem>> -> memref<128xi32, #tpu.memory_space<vmem>>
            %dma_wait3A_45 = arith.constant 0 : i32
            %dma_wait3A_46 = arith.constant 0 : i32
            %dma_wait3A_47 = tpu.memref_slice %arg11[%dma_wait3A_45, %dma_wait3A_46] : memref<10112x144xf32, #tpu.memory_space<vmem_shared>> -> memref<10112x144xf32, #tpu.memory_space<vmem_shared>>
            tpu.wait_indirect_dma semaphore(%run_scoped3A : memref<!tpu.dma_semaphore, #tpu.memory_space<semaphore_mem>>) src(%arg14 : memref<128x144xf32, #tpu.memory_space<vmem>>) dst(%dma_wait3A_47 : memref<10112x144xf32, #tpu.memory_space<vmem_shared>>)
            tpu.yield
          }) : () -> ()
        }
        %scan3A_24 = arith.constant 21 : i32
      }
      %scan3A_12 = arith.constant 7 : i32
      %barrier3A_13 = arith.constant 0 : index
      tpu.barrier barrier_id(%barrier3A_13)
      %mul3A_14 = arith.constant 632 : i32
      %mul3A_15 = arith.muli %arg1, %mul3A_14 : i32
      %mul3A_16 = arith.constant 632 : i32
      %mul3A_17 = arith.muli %arg1, %mul3A_16 : i32
      "tpu.region"() ({
        %run_scoped3A = tpu.sem_alloc : memref<!tpu.dma_semaphore, #tpu.memory_space<semaphore_mem>>
        %dma_start3A = arith.constant 0 : i32
        %dma_start3A_18 = tpu.memref_slice %arg10[%mul3A_17, %dma_start3A] : memref<10112x144xf32, #tpu.memory_space<hbm>> -> memref<632x144xf32, #tpu.memory_space<hbm>>
        %dma_start3A_19 = arith.constant 0 : i32
        %dma_start3A_20 = tpu.memref_slice %arg11[%mul3A_15, %dma_start3A_19] : memref<10112x144xf32, #tpu.memory_space<vmem_shared>> -> memref<632x144xf32, #tpu.memory_space<vmem_shared>>
        tpu.enqueue_dma source(%dma_start3A_20 : memref<632x144xf32, #tpu.memory_space<vmem_shared>>) target(%dma_start3A_18 : memref<632x144xf32, #tpu.memory_space<hbm>>) target_semaphore(%run_scoped3A : memref<!tpu.dma_semaphore, #tpu.memory_space<semaphore_mem>>)
        %dma_wait3A = arith.constant 0 : i32
        %dma_wait3A_21 = tpu.memref_slice %arg10[%mul3A_17, %dma_wait3A] : memref<10112x144xf32, #tpu.memory_space<hbm>> -> memref<632x144xf32, #tpu.memory_space<hbm>>
        %dma_wait3A_22 = arith.constant 0 : i32
        %dma_wait3A_23 = tpu.memref_slice %arg11[%mul3A_15, %dma_wait3A_22] : memref<10112x144xf32, #tpu.memory_space<vmem_shared>> -> memref<632x144xf32, #tpu.memory_space<vmem_shared>>
        tpu.wait_dma2 semaphore(%run_scoped3A : memref<!tpu.dma_semaphore, #tpu.memory_space<semaphore_mem>>) src(%dma_wait3A_23 : memref<632x144xf32, #tpu.memory_space<vmem_shared>>) dst(%dma_wait3A_21 : memref<632x144xf32, #tpu.memory_space<hbm>>)
        tpu.yield
      }) : () -> ()
    } else {
    }
    return
  }
}

module attributes {stable_mosaic.version = 14 : i64} {
  func.func @_dense_body(%arg0: i32, %arg1: memref<512x144xf32, #tpu.memory_space<vmem>>, %arg2: memref<512x144xf32, #tpu.memory_space<vmem>>, %arg3: memref<512x144xf32, #tpu.memory_space<vmem>>, %arg4: memref<512x144xf32, #tpu.memory_space<vmem>>, %arg5: memref<128x128xf32, #tpu.memory_space<vmem>>, %arg6: memref<128x128xf32, #tpu.memory_space<vmem>>, %arg7: memref<1x128xf32, #tpu.memory_space<vmem>>, %arg8: memref<1x128xf32, #tpu.memory_space<vmem>>, %arg9: memref<1x128xf32, #tpu.memory_space<vmem>>, %arg10: memref<1x128xf32, #tpu.memory_space<vmem>>, %arg11: memref<512x144xf32, #tpu.memory_space<vmem>>, %arg12: memref<512x144xf32, #tpu.memory_space<vmem>>) attributes {dimension_semantics = [#tpu.dimension_semantics<arbitrary>], iteration_bounds = array<i64: 20>, scalar_prefetch = 0 : i64, scratch_operands = 0 : i64, tpu.core_type = #tpu.core_type<tc>, window_params = [{transform_indices = @transform_0, window_bounds = array<i64: 512, 144>}, {transform_indices = @transform_1, window_bounds = array<i64: 512, 144>}, {transform_indices = @transform_2, window_bounds = array<i64: 512, 144>}, {transform_indices = @transform_3, window_bounds = array<i64: 512, 144>}, {pipeline_mode = #tpu.pipeline_mode<synchronous>, transform_indices = @transform_4, window_bounds = array<i64: 128, 128>}, {pipeline_mode = #tpu.pipeline_mode<synchronous>, transform_indices = @transform_5, window_bounds = array<i64: 128, 128>}, {pipeline_mode = #tpu.pipeline_mode<synchronous>, transform_indices = @transform_6, window_bounds = array<i64: 1, 128>}, {pipeline_mode = #tpu.pipeline_mode<synchronous>, transform_indices = @transform_7, window_bounds = array<i64: 1, 128>}, {pipeline_mode = #tpu.pipeline_mode<synchronous>, transform_indices = @transform_8, window_bounds = array<i64: 1, 128>}, {pipeline_mode = #tpu.pipeline_mode<synchronous>, transform_indices = @transform_9, window_bounds = array<i64: 1, 128>}, {transform_indices = @transform_10, window_bounds = array<i64: 512, 144>}, {transform_indices = @transform_11, window_bounds = array<i64: 512, 144>}]} {
    %iota3A = tpu.iota {dimensions = array<i32: 1>} : vector<512x16xi32>
    %eq3A = arith.constant 0 : i32
    %eq3A_0 = vector.broadcast %eq3A : i32 to vector<512x16xi32>
    %eq3A_1 = arith.cmpi eq, %iota3A, %eq3A_0 : vector<512x16xi32>
    %jit3A = arith.constant 1.000000e+00 : f32
    %jit3A_2 = arith.constant 0.000000e+00 : f32
    %broadcast_in_dim3A = vector.broadcast %jit3A : f32 to vector<512x16xf32>
    %broadcast_in_dim3A_3 = vector.broadcast %jit3A_2 : f32 to vector<512x16xf32>
    %select_n3A = arith.select %eq3A_1, %broadcast_in_dim3A, %broadcast_in_dim3A_3 : vector<512x16xi1>, vector<512x16xf32>
    %get3A = arith.constant 0 : index
    %get3A_4 = arith.constant 0 : index
    %get3A_5 = vector.load %arg2[%get3A, %get3A_4] : memref<512x144xf32, #tpu.memory_space<vmem>>, vector<512x128xf32>
    %get3A_6 = arith.constant 0 : index
    %get3A_7 = arith.constant 128 : index
    %get3A_8 = vector.load %arg2[%get3A_6, %get3A_7] : memref<512x144xf32, #tpu.memory_space<vmem>>, vector<512x1xf32>
    %max3A = arith.constant 1.000000e+00 : f32
    %max3A_9 = vector.broadcast %max3A : f32 to vector<512x1xf32>
    %max3A_10 = arith.maximumf %get3A_8, %max3A_9 : vector<512x1xf32>
    %div3A = vector.broadcast %max3A_10 : vector<512x1xf32> to vector<512x128xf32>
    %div3A_11 = arith.divf %get3A_5, %div3A : vector<512x128xf32>
    %get3A_12 = arith.constant 0 : index
    %get3A_13 = arith.constant 0 : index
    %get3A_14 = vector.load %arg6[%get3A_12, %get3A_13] : memref<128x128xf32, #tpu.memory_space<vmem>>, vector<128x128xf32>
    %dot_general3A = arith.constant dense<0.000000e+00> : vector<512x128xf32>
    %dot_general3A_15 = tpu.matmul %div3A_11, %get3A_14, %dot_general3A {dimension_numbers = #tpu.dot_dimension_numbers<[1], [0], [0], [1], [0, 0, 1, 1], [], []>, transpose_lhs_hint = false} : vector<512x128xf32>, vector<128x128xf32>, vector<512x128xf32> -> vector<512x128xf32>
    %get3A_16 = arith.constant 0 : index
    %get3A_17 = arith.constant 0 : index
    %get3A_18 = vector.load %arg3[%get3A_16, %get3A_17] : memref<512x144xf32, #tpu.memory_space<vmem>>, vector<512x128xf32>
    %add3A = arith.addf %get3A_18, %dot_general3A_15 : vector<512x128xf32>
    %reduce_sum3A = arith.constant dense<0.000000e+00> : vector<512xf32>
    %reduce_sum3A_19 = vector.multi_reduction <add>, %add3A, %reduce_sum3A [1] : vector<512x128xf32> to vector<512xf32>
    %broadcast_in_dim3A_20 = vector.shape_cast %reduce_sum3A_19 : vector<512xf32> to vector<512x1xf32>
    %div3A_21 = arith.constant 1.280000e+02 : f32
    %div3A_22 = vector.broadcast %div3A_21 : f32 to vector<512x1xf32>
    %div3A_23 = arith.divf %broadcast_in_dim3A_20, %div3A_22 : vector<512x1xf32>
    %sub3A = vector.broadcast %div3A_23 : vector<512x1xf32> to vector<512x128xf32>
    %sub3A_24 = arith.subf %add3A, %sub3A : vector<512x128xf32>
    %sub3A_25 = vector.broadcast %div3A_23 : vector<512x1xf32> to vector<512x128xf32>
    %sub3A_26 = arith.subf %add3A, %sub3A_25 : vector<512x128xf32>
    %mul3A = arith.mulf %sub3A_24, %sub3A_26 : vector<512x128xf32>
    %reduce_sum3A_27 = arith.constant dense<0.000000e+00> : vector<512xf32>
    %reduce_sum3A_28 = vector.multi_reduction <add>, %mul3A, %reduce_sum3A_27 [1] : vector<512x128xf32> to vector<512xf32>
    %broadcast_in_dim3A_29 = vector.shape_cast %reduce_sum3A_28 : vector<512xf32> to vector<512x1xf32>
    %div3A_30 = arith.constant 1.280000e+02 : f32
    %div3A_31 = vector.broadcast %div3A_30 : f32 to vector<512x1xf32>
    %div3A_32 = arith.divf %broadcast_in_dim3A_29, %div3A_31 : vector<512x1xf32>
    %get3A_33 = arith.constant 0 : index
    %get3A_34 = arith.constant 0 : index
    %get3A_35 = vector.load %arg7[%get3A_33, %get3A_34] : memref<1x128xf32, #tpu.memory_space<vmem>>, vector<1x128xf32>
    %sub3A_36 = vector.broadcast %div3A_23 : vector<512x1xf32> to vector<512x128xf32>
    %sub3A_37 = arith.subf %add3A, %sub3A_36 : vector<512x128xf32>
    %mul3A_38 = vector.broadcast %get3A_35 : vector<1x128xf32> to vector<512x128xf32>
    %mul3A_39 = arith.mulf %mul3A_38, %sub3A_37 : vector<512x128xf32>
    %add3A_40 = arith.constant 9.99999974E-6 : f32
    %add3A_41 = vector.broadcast %add3A_40 : f32 to vector<512x1xf32>
    %add3A_42 = arith.addf %div3A_32, %add3A_41 : vector<512x1xf32>
    %rsqrt3A = math.rsqrt %add3A_42 : vector<512x1xf32>
    %mul3A_43 = vector.broadcast %rsqrt3A : vector<512x1xf32> to vector<512x128xf32>
    %mul3A_44 = arith.mulf %mul3A_39, %mul3A_43 : vector<512x128xf32>
    %get3A_45 = arith.constant 0 : index
    %get3A_46 = arith.constant 0 : index
    %get3A_47 = vector.load %arg8[%get3A_45, %get3A_46] : memref<1x128xf32, #tpu.memory_space<vmem>>, vector<1x128xf32>
    %add3A_48 = vector.broadcast %get3A_47 : vector<1x128xf32> to vector<512x128xf32>
    %add3A_49 = arith.addf %mul3A_44, %add3A_48 : vector<512x128xf32>
    %max3A_50 = arith.constant 0.000000e+00 : f32
    %max3A_51 = vector.broadcast %max3A_50 : f32 to vector<512x128xf32>
    %max3A_52 = arith.maximumf %add3A_49, %max3A_51 : vector<512x128xf32>
    %swap3A = arith.constant 0 : index
    %swap3A_53 = arith.constant 0 : index
    %swap3A_54 = vector.load %arg11[%swap3A, %swap3A_53] : memref<512x144xf32, #tpu.memory_space<vmem>>, vector<512x128xf32>
    tpu.vector_store %arg11[%swap3A, %swap3A_53], %max3A_52 {strides = array<i32>} : memref<512x144xf32, #tpu.memory_space<vmem>>, vector<512x128xf32>,
    %swap3A_55 = arith.constant 0 : index
    %swap3A_56 = arith.constant 128 : index
    %swap3A_57 = vector.load %arg11[%swap3A_55, %swap3A_56] : memref<512x144xf32, #tpu.memory_space<vmem>>, vector<512x16xf32>
    tpu.vector_store %arg11[%swap3A_55, %swap3A_56], %select_n3A {strides = array<i32>} : memref<512x144xf32, #tpu.memory_space<vmem>>, vector<512x16xf32>,
    %get3A_58 = arith.constant 0 : index
    %get3A_59 = arith.constant 0 : index
    %get3A_60 = vector.load %arg1[%get3A_58, %get3A_59] : memref<512x144xf32, #tpu.memory_space<vmem>>, vector<512x128xf32>
    %get3A_61 = arith.constant 0 : index
    %get3A_62 = arith.constant 128 : index
    %get3A_63 = vector.load %arg1[%get3A_61, %get3A_62] : memref<512x144xf32, #tpu.memory_space<vmem>>, vector<512x1xf32>
    %max3A_64 = arith.constant 1.000000e+00 : f32
    %max3A_65 = vector.broadcast %max3A_64 : f32 to vector<512x1xf32>
    %max3A_66 = arith.maximumf %get3A_63, %max3A_65 : vector<512x1xf32>
    %div3A_67 = vector.broadcast %max3A_66 : vector<512x1xf32> to vector<512x128xf32>
    %div3A_68 = arith.divf %get3A_60, %div3A_67 : vector<512x128xf32>
    %get3A_69 = arith.constant 0 : index
    %get3A_70 = arith.constant 0 : index
    %get3A_71 = vector.load %arg5[%get3A_69, %get3A_70] : memref<128x128xf32, #tpu.memory_space<vmem>>, vector<128x128xf32>
    %dot_general3A_72 = arith.constant dense<0.000000e+00> : vector<512x128xf32>
    %dot_general3A_73 = tpu.matmul %div3A_68, %get3A_71, %dot_general3A_72 {dimension_numbers = #tpu.dot_dimension_numbers<[1], [0], [0], [1], [0, 0, 1, 1], [], []>, transpose_lhs_hint = false} : vector<512x128xf32>, vector<128x128xf32>, vector<512x128xf32> -> vector<512x128xf32>
    %get3A_74 = arith.constant 0 : index
    %get3A_75 = arith.constant 0 : index
    %get3A_76 = vector.load %arg4[%get3A_74, %get3A_75] : memref<512x144xf32, #tpu.memory_space<vmem>>, vector<512x128xf32>
    %add3A_77 = arith.addf %get3A_76, %dot_general3A_73 : vector<512x128xf32>
    %reduce_sum3A_78 = arith.constant dense<0.000000e+00> : vector<512xf32>
    %reduce_sum3A_79 = vector.multi_reduction <add>, %add3A_77, %reduce_sum3A_78 [1] : vector<512x128xf32> to vector<512xf32>
    %broadcast_in_dim3A_80 = vector.shape_cast %reduce_sum3A_79 : vector<512xf32> to vector<512x1xf32>
    %div3A_81 = arith.constant 1.280000e+02 : f32
    %div3A_82 = vector.broadcast %div3A_81 : f32 to vector<512x1xf32>
    %div3A_83 = arith.divf %broadcast_in_dim3A_80, %div3A_82 : vector<512x1xf32>
    %sub3A_84 = vector.broadcast %div3A_83 : vector<512x1xf32> to vector<512x128xf32>
    %sub3A_85 = arith.subf %add3A_77, %sub3A_84 : vector<512x128xf32>
    %sub3A_86 = vector.broadcast %div3A_83 : vector<512x1xf32> to vector<512x128xf32>
    %sub3A_87 = arith.subf %add3A_77, %sub3A_86 : vector<512x128xf32>
    %mul3A_88 = arith.mulf %sub3A_85, %sub3A_87 : vector<512x128xf32>
    %reduce_sum3A_89 = arith.constant dense<0.000000e+00> : vector<512xf32>
    %reduce_sum3A_90 = vector.multi_reduction <add>, %mul3A_88, %reduce_sum3A_89 [1] : vector<512x128xf32> to vector<512xf32>
    %broadcast_in_dim3A_91 = vector.shape_cast %reduce_sum3A_90 : vector<512xf32> to vector<512x1xf32>
    %div3A_92 = arith.constant 1.280000e+02 : f32
    %div3A_93 = vector.broadcast %div3A_92 : f32 to vector<512x1xf32>
    %div3A_94 = arith.divf %broadcast_in_dim3A_91, %div3A_93 : vector<512x1xf32>
    %get3A_95 = arith.constant 0 : index
    %get3A_96 = arith.constant 0 : index
    %get3A_97 = vector.load %arg9[%get3A_95, %get3A_96] : memref<1x128xf32, #tpu.memory_space<vmem>>, vector<1x128xf32>
    %sub3A_98 = vector.broadcast %div3A_83 : vector<512x1xf32> to vector<512x128xf32>
    %sub3A_99 = arith.subf %add3A_77, %sub3A_98 : vector<512x128xf32>
    %mul3A_100 = vector.broadcast %get3A_97 : vector<1x128xf32> to vector<512x128xf32>
    %mul3A_101 = arith.mulf %mul3A_100, %sub3A_99 : vector<512x128xf32>
    %add3A_102 = arith.constant 9.99999974E-6 : f32
    %add3A_103 = vector.broadcast %add3A_102 : f32 to vector<512x1xf32>
    %add3A_104 = arith.addf %div3A_94, %add3A_103 : vector<512x1xf32>
    %rsqrt3A_105 = math.rsqrt %add3A_104 : vector<512x1xf32>
    %mul3A_106 = vector.broadcast %rsqrt3A_105 : vector<512x1xf32> to vector<512x128xf32>
    %mul3A_107 = arith.mulf %mul3A_101, %mul3A_106 : vector<512x128xf32>
    %get3A_108 = arith.constant 0 : index
    %get3A_109 = arith.constant 0 : index
    %get3A_110 = vector.load %arg10[%get3A_108, %get3A_109] : memref<1x128xf32, #tpu.memory_space<vmem>>, vector<1x128xf32>
    %add3A_111 = vector.broadcast %get3A_110 : vector<1x128xf32> to vector<512x128xf32>
    %add3A_112 = arith.addf %mul3A_107, %add3A_111 : vector<512x128xf32>
    %max3A_113 = arith.constant 0.000000e+00 : f32
    %max3A_114 = vector.broadcast %max3A_113 : f32 to vector<512x128xf32>
    %max3A_115 = arith.maximumf %add3A_112, %max3A_114 : vector<512x128xf32>
    %swap3A_116 = arith.constant 0 : index
    %swap3A_117 = arith.constant 0 : index
    %swap3A_118 = vector.load %arg12[%swap3A_116, %swap3A_117] : memref<512x144xf32, #tpu.memory_space<vmem>>, vector<512x128xf32>
    tpu.vector_store %arg12[%swap3A_116, %swap3A_117], %max3A_115 {strides = array<i32>} : memref<512x144xf32, #tpu.memory_space<vmem>>, vector<512x128xf32>,
    %swap3A_119 = arith.constant 0 : index
    %swap3A_120 = arith.constant 128 : index
    %swap3A_121 = vector.load %arg12[%swap3A_119, %swap3A_120] : memref<512x144xf32, #tpu.memory_space<vmem>>, vector<512x16xf32>
    tpu.vector_store %arg12[%swap3A_119, %swap3A_120], %select_n3A {strides = array<i32>} : memref<512x144xf32, #tpu.memory_space<vmem>>, vector<512x16xf32>,
    return
  }
  func.func @transform_0(%arg0: i32) -> (i32, i32) {
    %c0_i32 = arith.constant 0 : i32
    %c0_i32_0 = arith.constant 0 : i32
    return %arg0, %c0_i32 : i32, i32
  }
  func.func @transform_1(%arg0: i32) -> (i32, i32) {
    %c0_i32 = arith.constant 0 : i32
    %c0_i32_0 = arith.constant 0 : i32
    return %arg0, %c0_i32 : i32, i32
  }
  func.func @transform_2(%arg0: i32) -> (i32, i32) {
    %c0_i32 = arith.constant 0 : i32
    %c0_i32_0 = arith.constant 0 : i32
    return %arg0, %c0_i32 : i32, i32
  }
  func.func @transform_3(%arg0: i32) -> (i32, i32) {
    %c0_i32 = arith.constant 0 : i32
    %c0_i32_0 = arith.constant 0 : i32
    return %arg0, %c0_i32 : i32, i32
  }
  func.func @transform_4(%arg0: i32) -> (i32, i32) {
    %c0_i32 = arith.constant 0 : i32
    %c0_i32_0 = arith.constant 0 : i32
    %c0_i32_1 = arith.constant 0 : i32
    return %c0_i32, %c0_i32_0 : i32, i32
  }
  func.func @transform_5(%arg0: i32) -> (i32, i32) {
    %c0_i32 = arith.constant 0 : i32
    %c0_i32_0 = arith.constant 0 : i32
    %c0_i32_1 = arith.constant 0 : i32
    return %c0_i32, %c0_i32_0 : i32, i32
  }
  func.func @transform_6(%arg0: i32) -> (i32, i32) {
    %c0_i32 = arith.constant 0 : i32
    %c0_i32_0 = arith.constant 0 : i32
    %c0_i32_1 = arith.constant 0 : i32
    return %c0_i32, %c0_i32_0 : i32, i32
  }
  func.func @transform_7(%arg0: i32) -> (i32, i32) {
    %c0_i32 = arith.constant 0 : i32
    %c0_i32_0 = arith.constant 0 : i32
    %c0_i32_1 = arith.constant 0 : i32
    return %c0_i32, %c0_i32_0 : i32, i32
  }
  func.func @transform_8(%arg0: i32) -> (i32, i32) {
    %c0_i32 = arith.constant 0 : i32
    %c0_i32_0 = arith.constant 0 : i32
    %c0_i32_1 = arith.constant 0 : i32
    return %c0_i32, %c0_i32_0 : i32, i32
  }
  func.func @transform_9(%arg0: i32) -> (i32, i32) {
    %c0_i32 = arith.constant 0 : i32
    %c0_i32_0 = arith.constant 0 : i32
    %c0_i32_1 = arith.constant 0 : i32
    return %c0_i32, %c0_i32_0 : i32, i32
  }
  func.func @transform_10(%arg0: i32) -> (i32, i32) {
    %c0_i32 = arith.constant 0 : i32
    %c0_i32_0 = arith.constant 0 : i32
    return %arg0, %c0_i32 : i32, i32
  }
  func.func @transform_11(%arg0: i32) -> (i32, i32) {
    %c0_i32 = arith.constant 0 : i32
    %c0_i32_0 = arith.constant 0 : i32
    return %arg0, %c0_i32 : i32, i32
  }
}

module attributes {stable_mosaic.version = 14 : i64} {
  func.func @_dense_final_body(%arg0: i32, %arg1: memref<512x144xf32, #tpu.memory_space<vmem>>, %arg2: memref<512x144xf32, #tpu.memory_space<vmem>>, %arg3: memref<512x144xf32, #tpu.memory_space<vmem>>, %arg4: memref<512x144xf32, #tpu.memory_space<vmem>>, %arg5: memref<128x128xf32, #tpu.memory_space<vmem>>, %arg6: memref<128x128xf32, #tpu.memory_space<vmem>>, %arg7: memref<1x128xf32, #tpu.memory_space<vmem>>, %arg8: memref<1x128xf32, #tpu.memory_space<vmem>>, %arg9: memref<1x128xf32, #tpu.memory_space<vmem>>, %arg10: memref<1x128xf32, #tpu.memory_space<vmem>>, %arg11: memref<128x1xf32, #tpu.memory_space<vmem>>, %arg12: memref<128x1xf32, #tpu.memory_space<vmem>>, %arg13: memref<1x1xf32, #tpu.memory_space<vmem>>, %arg14: memref<512x1xf32, #tpu.memory_space<vmem>>, %arg15: memref<512x1xf32, #tpu.memory_space<vmem>>) attributes {dimension_semantics = [#tpu.dimension_semantics<arbitrary>], iteration_bounds = array<i64: 20>, scalar_prefetch = 0 : i64, scratch_operands = 0 : i64, tpu.core_type = #tpu.core_type<tc>, window_params = [{transform_indices = @transform_0, window_bounds = array<i64: 512, 144>}, {transform_indices = @transform_1, window_bounds = array<i64: 512, 144>}, {transform_indices = @transform_2, window_bounds = array<i64: 512, 144>}, {transform_indices = @transform_3, window_bounds = array<i64: 512, 144>}, {pipeline_mode = #tpu.pipeline_mode<synchronous>, transform_indices = @transform_4, window_bounds = array<i64: 128, 128>}, {pipeline_mode = #tpu.pipeline_mode<synchronous>, transform_indices = @transform_5, window_bounds = array<i64: 128, 128>}, {pipeline_mode = #tpu.pipeline_mode<synchronous>, transform_indices = @transform_6, window_bounds = array<i64: 1, 128>}, {pipeline_mode = #tpu.pipeline_mode<synchronous>, transform_indices = @transform_7, window_bounds = array<i64: 1, 128>}, {pipeline_mode = #tpu.pipeline_mode<synchronous>, transform_indices = @transform_8, window_bounds = array<i64: 1, 128>}, {pipeline_mode = #tpu.pipeline_mode<synchronous>, transform_indices = @transform_9, window_bounds = array<i64: 1, 128>}, {pipeline_mode = #tpu.pipeline_mode<synchronous>, transform_indices = @transform_10, window_bounds = array<i64: 128, 1>}, {pipeline_mode = #tpu.pipeline_mode<synchronous>, transform_indices = @transform_11, window_bounds = array<i64: 128, 1>}, {pipeline_mode = #tpu.pipeline_mode<synchronous>, transform_indices = @transform_12, window_bounds = array<i64: 1, 1>}, {transform_indices = @transform_13, window_bounds = array<i64: 512, 1>}, {transform_indices = @transform_14, window_bounds = array<i64: 512, 1>}]} {
    %get3A = arith.constant 0 : index
    %get3A_0 = arith.constant 0 : index
    %get3A_1 = vector.load %arg2[%get3A, %get3A_0] : memref<512x144xf32, #tpu.memory_space<vmem>>, vector<512x128xf32>
    %get3A_2 = arith.constant 0 : index
    %get3A_3 = arith.constant 128 : index
    %get3A_4 = vector.load %arg2[%get3A_2, %get3A_3] : memref<512x144xf32, #tpu.memory_space<vmem>>, vector<512x1xf32>
    %max3A = arith.constant 1.000000e+00 : f32
    %max3A_5 = vector.broadcast %max3A : f32 to vector<512x1xf32>
    %max3A_6 = arith.maximumf %get3A_4, %max3A_5 : vector<512x1xf32>
    %div3A = vector.broadcast %max3A_6 : vector<512x1xf32> to vector<512x128xf32>
    %div3A_7 = arith.divf %get3A_1, %div3A : vector<512x128xf32>
    %get3A_8 = arith.constant 0 : index
    %get3A_9 = arith.constant 0 : index
    %get3A_10 = vector.load %arg6[%get3A_8, %get3A_9] : memref<128x128xf32, #tpu.memory_space<vmem>>, vector<128x128xf32>
    %dot_general3A = arith.constant dense<0.000000e+00> : vector<512x128xf32>
    %dot_general3A_11 = tpu.matmul %div3A_7, %get3A_10, %dot_general3A {dimension_numbers = #tpu.dot_dimension_numbers<[1], [0], [0], [1], [0, 0, 1, 1], [], []>, transpose_lhs_hint = false} : vector<512x128xf32>, vector<128x128xf32>, vector<512x128xf32> -> vector<512x128xf32>
    %get3A_12 = arith.constant 0 : index
    %get3A_13 = arith.constant 0 : index
    %get3A_14 = vector.load %arg3[%get3A_12, %get3A_13] : memref<512x144xf32, #tpu.memory_space<vmem>>, vector<512x128xf32>
    %add3A = arith.addf %get3A_14, %dot_general3A_11 : vector<512x128xf32>
    %reduce_sum3A = arith.constant dense<0.000000e+00> : vector<512xf32>
    %reduce_sum3A_15 = vector.multi_reduction <add>, %add3A, %reduce_sum3A [1] : vector<512x128xf32> to vector<512xf32>
    %broadcast_in_dim3A = vector.shape_cast %reduce_sum3A_15 : vector<512xf32> to vector<512x1xf32>
    %div3A_16 = arith.constant 1.280000e+02 : f32
    %div3A_17 = vector.broadcast %div3A_16 : f32 to vector<512x1xf32>
    %div3A_18 = arith.divf %broadcast_in_dim3A, %div3A_17 : vector<512x1xf32>
    %sub3A = vector.broadcast %div3A_18 : vector<512x1xf32> to vector<512x128xf32>
    %sub3A_19 = arith.subf %add3A, %sub3A : vector<512x128xf32>
    %sub3A_20 = vector.broadcast %div3A_18 : vector<512x1xf32> to vector<512x128xf32>
    %sub3A_21 = arith.subf %add3A, %sub3A_20 : vector<512x128xf32>
    %mul3A = arith.mulf %sub3A_19, %sub3A_21 : vector<512x128xf32>
    %reduce_sum3A_22 = arith.constant dense<0.000000e+00> : vector<512xf32>
    %reduce_sum3A_23 = vector.multi_reduction <add>, %mul3A, %reduce_sum3A_22 [1] : vector<512x128xf32> to vector<512xf32>
    %broadcast_in_dim3A_24 = vector.shape_cast %reduce_sum3A_23 : vector<512xf32> to vector<512x1xf32>
    %div3A_25 = arith.constant 1.280000e+02 : f32
    %div3A_26 = vector.broadcast %div3A_25 : f32 to vector<512x1xf32>
    %div3A_27 = arith.divf %broadcast_in_dim3A_24, %div3A_26 : vector<512x1xf32>
    %get3A_28 = arith.constant 0 : index
    %get3A_29 = arith.constant 0 : index
    %get3A_30 = vector.load %arg7[%get3A_28, %get3A_29] : memref<1x128xf32, #tpu.memory_space<vmem>>, vector<1x128xf32>
    %sub3A_31 = vector.broadcast %div3A_18 : vector<512x1xf32> to vector<512x128xf32>
    %sub3A_32 = arith.subf %add3A, %sub3A_31 : vector<512x128xf32>
    %mul3A_33 = vector.broadcast %get3A_30 : vector<1x128xf32> to vector<512x128xf32>
    %mul3A_34 = arith.mulf %mul3A_33, %sub3A_32 : vector<512x128xf32>
    %add3A_35 = arith.constant 9.99999974E-6 : f32
    %add3A_36 = vector.broadcast %add3A_35 : f32 to vector<512x1xf32>
    %add3A_37 = arith.addf %div3A_27, %add3A_36 : vector<512x1xf32>
    %rsqrt3A = math.rsqrt %add3A_37 : vector<512x1xf32>
    %mul3A_38 = vector.broadcast %rsqrt3A : vector<512x1xf32> to vector<512x128xf32>
    %mul3A_39 = arith.mulf %mul3A_34, %mul3A_38 : vector<512x128xf32>
    %get3A_40 = arith.constant 0 : index
    %get3A_41 = arith.constant 0 : index
    %get3A_42 = vector.load %arg8[%get3A_40, %get3A_41] : memref<1x128xf32, #tpu.memory_space<vmem>>, vector<1x128xf32>
    %add3A_43 = vector.broadcast %get3A_42 : vector<1x128xf32> to vector<512x128xf32>
    %add3A_44 = arith.addf %mul3A_39, %add3A_43 : vector<512x128xf32>
    %max3A_45 = arith.constant 0.000000e+00 : f32
    %max3A_46 = vector.broadcast %max3A_45 : f32 to vector<512x128xf32>
    %max3A_47 = arith.maximumf %add3A_44, %max3A_46 : vector<512x128xf32>
    %get3A_48 = arith.constant 0 : index
    %get3A_49 = arith.constant 0 : index
    %get3A_50 = vector.load %arg1[%get3A_48, %get3A_49] : memref<512x144xf32, #tpu.memory_space<vmem>>, vector<512x128xf32>
    %get3A_51 = arith.constant 0 : index
    %get3A_52 = arith.constant 128 : index
    %get3A_53 = vector.load %arg1[%get3A_51, %get3A_52] : memref<512x144xf32, #tpu.memory_space<vmem>>, vector<512x1xf32>
    %max3A_54 = arith.constant 1.000000e+00 : f32
    %max3A_55 = vector.broadcast %max3A_54 : f32 to vector<512x1xf32>
    %max3A_56 = arith.maximumf %get3A_53, %max3A_55 : vector<512x1xf32>
    %div3A_57 = vector.broadcast %max3A_56 : vector<512x1xf32> to vector<512x128xf32>
    %div3A_58 = arith.divf %get3A_50, %div3A_57 : vector<512x128xf32>
    %get3A_59 = arith.constant 0 : index
    %get3A_60 = arith.constant 0 : index
    %get3A_61 = vector.load %arg5[%get3A_59, %get3A_60] : memref<128x128xf32, #tpu.memory_space<vmem>>, vector<128x128xf32>
    %dot_general3A_62 = arith.constant dense<0.000000e+00> : vector<512x128xf32>
    %dot_general3A_63 = tpu.matmul %div3A_58, %get3A_61, %dot_general3A_62 {dimension_numbers = #tpu.dot_dimension_numbers<[1], [0], [0], [1], [0, 0, 1, 1], [], []>, transpose_lhs_hint = false} : vector<512x128xf32>, vector<128x128xf32>, vector<512x128xf32> -> vector<512x128xf32>
    %get3A_64 = arith.constant 0 : index
    %get3A_65 = arith.constant 0 : index
    %get3A_66 = vector.load %arg4[%get3A_64, %get3A_65] : memref<512x144xf32, #tpu.memory_space<vmem>>, vector<512x128xf32>
    %add3A_67 = arith.addf %get3A_66, %dot_general3A_63 : vector<512x128xf32>
    %reduce_sum3A_68 = arith.constant dense<0.000000e+00> : vector<512xf32>
    %reduce_sum3A_69 = vector.multi_reduction <add>, %add3A_67, %reduce_sum3A_68 [1] : vector<512x128xf32> to vector<512xf32>
    %broadcast_in_dim3A_70 = vector.shape_cast %reduce_sum3A_69 : vector<512xf32> to vector<512x1xf32>
    %div3A_71 = arith.constant 1.280000e+02 : f32
    %div3A_72 = vector.broadcast %div3A_71 : f32 to vector<512x1xf32>
    %div3A_73 = arith.divf %broadcast_in_dim3A_70, %div3A_72 : vector<512x1xf32>
    %sub3A_74 = vector.broadcast %div3A_73 : vector<512x1xf32> to vector<512x128xf32>
    %sub3A_75 = arith.subf %add3A_67, %sub3A_74 : vector<512x128xf32>
    %sub3A_76 = vector.broadcast %div3A_73 : vector<512x1xf32> to vector<512x128xf32>
    %sub3A_77 = arith.subf %add3A_67, %sub3A_76 : vector<512x128xf32>
    %mul3A_78 = arith.mulf %sub3A_75, %sub3A_77 : vector<512x128xf32>
    %reduce_sum3A_79 = arith.constant dense<0.000000e+00> : vector<512xf32>
    %reduce_sum3A_80 = vector.multi_reduction <add>, %mul3A_78, %reduce_sum3A_79 [1] : vector<512x128xf32> to vector<512xf32>
    %broadcast_in_dim3A_81 = vector.shape_cast %reduce_sum3A_80 : vector<512xf32> to vector<512x1xf32>
    %div3A_82 = arith.constant 1.280000e+02 : f32
    %div3A_83 = vector.broadcast %div3A_82 : f32 to vector<512x1xf32>
    %div3A_84 = arith.divf %broadcast_in_dim3A_81, %div3A_83 : vector<512x1xf32>
    %get3A_85 = arith.constant 0 : index
    %get3A_86 = arith.constant 0 : index
    %get3A_87 = vector.load %arg9[%get3A_85, %get3A_86] : memref<1x128xf32, #tpu.memory_space<vmem>>, vector<1x128xf32>
    %sub3A_88 = vector.broadcast %div3A_73 : vector<512x1xf32> to vector<512x128xf32>
    %sub3A_89 = arith.subf %add3A_67, %sub3A_88 : vector<512x128xf32>
    %mul3A_90 = vector.broadcast %get3A_87 : vector<1x128xf32> to vector<512x128xf32>
    %mul3A_91 = arith.mulf %mul3A_90, %sub3A_89 : vector<512x128xf32>
    %add3A_92 = arith.constant 9.99999974E-6 : f32
    %add3A_93 = vector.broadcast %add3A_92 : f32 to vector<512x1xf32>
    %add3A_94 = arith.addf %div3A_84, %add3A_93 : vector<512x1xf32>
    %rsqrt3A_95 = math.rsqrt %add3A_94 : vector<512x1xf32>
    %mul3A_96 = vector.broadcast %rsqrt3A_95 : vector<512x1xf32> to vector<512x128xf32>
    %mul3A_97 = arith.mulf %mul3A_91, %mul3A_96 : vector<512x128xf32>
    %get3A_98 = arith.constant 0 : index
    %get3A_99 = arith.constant 0 : index
    %get3A_100 = vector.load %arg10[%get3A_98, %get3A_99] : memref<1x128xf32, #tpu.memory_space<vmem>>, vector<1x128xf32>
    %add3A_101 = vector.broadcast %get3A_100 : vector<1x128xf32> to vector<512x128xf32>
    %add3A_102 = arith.addf %mul3A_97, %add3A_101 : vector<512x128xf32>
    %max3A_103 = arith.constant 0.000000e+00 : f32
    %max3A_104 = vector.broadcast %max3A_103 : f32 to vector<512x128xf32>
    %max3A_105 = arith.maximumf %add3A_102, %max3A_104 : vector<512x128xf32>
    %get3A_106 = arith.constant 0 : index
    %get3A_107 = arith.constant 0 : index
    %get3A_108 = vector.load %arg11[%get3A_106, %get3A_107] : memref<128x1xf32, #tpu.memory_space<vmem>>, vector<128x1xf32>
    %dot_general3A_109 = arith.constant dense<0.000000e+00> : vector<512x1xf32>
    %dot_general3A_110 = tpu.matmul %max3A_47, %get3A_108, %dot_general3A_109 {dimension_numbers = #tpu.dot_dimension_numbers<[1], [0], [0], [1], [0, 0, 1, 1], [], []>, transpose_lhs_hint = false} : vector<512x128xf32>, vector<128x1xf32>, vector<512x1xf32> -> vector<512x1xf32>
    %get3A_111 = arith.constant 0 : index
    %get3A_112 = arith.constant 0 : index
    %get3A_113 = vector.load %arg13[%get3A_111, %get3A_112] : memref<1x1xf32, #tpu.memory_space<vmem>>, vector<1x1xf32>
    %add3A_114 = vector.broadcast %get3A_113 : vector<1x1xf32> to vector<512x1xf32>
    %add3A_115 = arith.addf %dot_general3A_110, %add3A_114 : vector<512x1xf32>
    %swap3A = arith.constant 0 : index
    %swap3A_116 = arith.constant 0 : index
    %swap3A_117 = vector.load %arg14[%swap3A, %swap3A_116] : memref<512x1xf32, #tpu.memory_space<vmem>>, vector<512x1xf32>
    tpu.vector_store %arg14[%swap3A, %swap3A_116], %add3A_115 {strides = array<i32>} : memref<512x1xf32, #tpu.memory_space<vmem>>, vector<512x1xf32>,
    %get3A_118 = arith.constant 0 : index
    %get3A_119 = arith.constant 0 : index
    %get3A_120 = vector.load %arg12[%get3A_118, %get3A_119] : memref<128x1xf32, #tpu.memory_space<vmem>>, vector<128x1xf32>
    %dot_general3A_121 = arith.constant dense<0.000000e+00> : vector<512x1xf32>
    %dot_general3A_122 = tpu.matmul %max3A_105, %get3A_120, %dot_general3A_121 {dimension_numbers = #tpu.dot_dimension_numbers<[1], [0], [0], [1], [0, 0, 1, 1], [], []>, transpose_lhs_hint = false} : vector<512x128xf32>, vector<128x1xf32>, vector<512x1xf32> -> vector<512x1xf32>
    %swap3A_123 = arith.constant 0 : index
    %swap3A_124 = arith.constant 0 : index
    %swap3A_125 = vector.load %arg15[%swap3A_123, %swap3A_124] : memref<512x1xf32, #tpu.memory_space<vmem>>, vector<512x1xf32>
    tpu.vector_store %arg15[%swap3A_123, %swap3A_124], %dot_general3A_122 {strides = array<i32>} : memref<512x1xf32, #tpu.memory_space<vmem>>, vector<512x1xf32>,
    return
  }
  func.func @transform_0(%arg0: i32) -> (i32, i32) {
    %c0_i32 = arith.constant 0 : i32
    %c0_i32_0 = arith.constant 0 : i32
    return %arg0, %c0_i32 : i32, i32
  }
  func.func @transform_1(%arg0: i32) -> (i32, i32) {
    %c0_i32 = arith.constant 0 : i32
    %c0_i32_0 = arith.constant 0 : i32
    return %arg0, %c0_i32 : i32, i32
  }
  func.func @transform_2(%arg0: i32) -> (i32, i32) {
    %c0_i32 = arith.constant 0 : i32
    %c0_i32_0 = arith.constant 0 : i32
    return %arg0, %c0_i32 : i32, i32
  }
  func.func @transform_3(%arg0: i32) -> (i32, i32) {
    %c0_i32 = arith.constant 0 : i32
    %c0_i32_0 = arith.constant 0 : i32
    return %arg0, %c0_i32 : i32, i32
  }
  func.func @transform_4(%arg0: i32) -> (i32, i32) {
    %c0_i32 = arith.constant 0 : i32
    %c0_i32_0 = arith.constant 0 : i32
    %c0_i32_1 = arith.constant 0 : i32
    return %c0_i32, %c0_i32_0 : i32, i32
  }
  func.func @transform_5(%arg0: i32) -> (i32, i32) {
    %c0_i32 = arith.constant 0 : i32
    %c0_i32_0 = arith.constant 0 : i32
    %c0_i32_1 = arith.constant 0 : i32
    return %c0_i32, %c0_i32_0 : i32, i32
  }
  func.func @transform_6(%arg0: i32) -> (i32, i32) {
    %c0_i32 = arith.constant 0 : i32
    %c0_i32_0 = arith.constant 0 : i32
    %c0_i32_1 = arith.constant 0 : i32
    return %c0_i32, %c0_i32_0 : i32, i32
  }
  func.func @transform_7(%arg0: i32) -> (i32, i32) {
    %c0_i32 = arith.constant 0 : i32
    %c0_i32_0 = arith.constant 0 : i32
    %c0_i32_1 = arith.constant 0 : i32
    return %c0_i32, %c0_i32_0 : i32, i32
  }
  func.func @transform_8(%arg0: i32) -> (i32, i32) {
    %c0_i32 = arith.constant 0 : i32
    %c0_i32_0 = arith.constant 0 : i32
    %c0_i32_1 = arith.constant 0 : i32
    return %c0_i32, %c0_i32_0 : i32, i32
  }
  func.func @transform_9(%arg0: i32) -> (i32, i32) {
    %c0_i32 = arith.constant 0 : i32
    %c0_i32_0 = arith.constant 0 : i32
    %c0_i32_1 = arith.constant 0 : i32
    return %c0_i32, %c0_i32_0 : i32, i32
  }
  func.func @transform_10(%arg0: i32) -> (i32, i32) {
    %c0_i32 = arith.constant 0 : i32
    %c0_i32_0 = arith.constant 0 : i32
    %c0_i32_1 = arith.constant 0 : i32
    return %c0_i32, %c0_i32_0 : i32, i32
  }
  func.func @transform_11(%arg0: i32) -> (i32, i32) {
    %c0_i32 = arith.constant 0 : i32
    %c0_i32_0 = arith.constant 0 : i32
    %c0_i32_1 = arith.constant 0 : i32
    return %c0_i32, %c0_i32_0 : i32, i32
  }
  func.func @transform_12(%arg0: i32) -> (i32, i32) {
    %c0_i32 = arith.constant 0 : i32
    %c0_i32_0 = arith.constant 0 : i32
    %c0_i32_1 = arith.constant 0 : i32
    return %c0_i32, %c0_i32_0 : i32, i32
  }
  func.func @transform_13(%arg0: i32) -> (i32, i32) {
    %c0_i32 = arith.constant 0 : i32
    %c0_i32_0 = arith.constant 0 : i32
    return %arg0, %c0_i32 : i32, i32
  }
  func.func @transform_14(%arg0: i32) -> (i32, i32) {
    %c0_i32 = arith.constant 0 : i32
    %c0_i32_0 = arith.constant 0 : i32
    return %arg0, %c0_i32 : i32, i32
  }
}

</mosaic_0001>

<sc_bundles>
// kernel: kernel.10.cloned.1.call-start
scs
__scs_entry_jumppad:
0x0: {  	(pc) =	sbr.rel $0x88, $3  }
0x1: {  	(tag) =	ssettag $0x0;
	lr =	simm.s32 $0x1  }
0x2: {  	[smem:$0x3F93] =	sst lr;
	_ =	strace $0xD0000000  }
0x3: {  	_ = 	snop  }
0x4: {  	_ = 	snop  }
0x5: {  	_ = 	snop  }
0x6: {  	_ = 	snop  }
0x7: {  	_ = 	snop  }
__scs_overlays_trampoline_lowered:
0x8: {  	[smem:$0x3FA2] =	sst s0  }
0x9: {  	[smem:$0x3FA3] =	sst s1  }
0xa: {  	[smem:$0x3FA4] =	sst s2  }
0xb: {  	[smem:$0x3FA5] =	sst s3  }
0xc: {  	[smem:$0x3FA6] =	sst s4  }
0xd: {  	[smem:$0x3FA7] =	sst s5  }
0xe: {  	[smem:$0x3FA8] =	sst s6  }
0xf: {  	[smem:$0x3FA9] =	sst s7  }
0x10: {  	[smem:$0x3FAA] =	sst s8  }
0x11: {  	[smem:$0x3FAB] =	sst s9;
	s0 =	simm.s32 @!p0 $0x0  }
0x12: {  	s1 =	sld [smem:$0x3F91];
	s0 =	simm.s32 @p0 $0x1  }
0x13: {  	[smem:$0x3FAC] =	sst s0;
	s0 =	simm.s32 @!p1 $0x0  }
0x14: {  	s2 =	sld [smem:$0x3F90];
	s0 =	simm.s32 @p1 $0x1  }
0x15: {  	[smem:$0x3FAD] =	sst s0;
	s0 =	simm.s32 @!p2 $0x0  }
0x16: {  	s3 =	sld [smem:$0x3FDB];
	s0 =	simm.s32 @p2 $0x1  }
0x17: {  	s4 =	simm.s32 $0x1BF5;
	[smem:$0x3FAF] =	sst s0  }
0x18: {  	s0 =	sld [smem:$0x3F92];
	_ =	swait.ge [sflag:s4], $0x0  }
0x19: {  	s7 =	sld [smem:$0x3F93]  }
0x1a: {  	s8 =	sadd.s32 $0xFFFFE003, lr  }
0x1b: {  	s9 =	sadd.s32 $0xFFFFFEF7, lr;
	s5 =	simm.s32 $0xFFFFFFFF;
	p2 =	slt.u32 s8, $0xFFFFF086  }
0x1c: {  	p1 =	slt.u32 s9, $0xF7A;
	s5 =	simm.s32 @!p2 $0x0  }
0x1d: {  	s5 =	simm.s32 @p1 $0x1;
	p0 =	seq.s32 s7, s2  }
0x1e: {  	s7 =	smul.u32 @!p0 $0xF7A, s2;
	p2 =	seq.s32 @!p0 s5, $0x0  }
0x1f: {  	s9 =	smul.u32 $0xF7A, s1;
	s8 =	simm.s32 @!p0 $0x1BF5;
	p2 =	por !p2, p0  }
0x20: {  	[sflag:s8] =	ssyncset.s32 @!p0 $0xFFFFF086;
	s6 =	sadd.s32 @!p0 s3, s7;
	s7 =	simm.s32 @!p0 $0x108  }
0x21: {  	s3 =	sadd.s32 s3, s9;
	s6 =	sadd.s32 @!p0 $0x88, s6;
	s7 =	simm.s32 @p2 $0x1082  }
0x22: {  	[simem:s7], [sflag:s8] =	dma.local @!p0 [hbm:s6], $0xF7A  }
0x23: {  	s9 =	sor.u32 $0xD0000000, s2;
	s6 =	simm.s32 $0x108;
	_ =	swait.ge @!p0 [sflag:s8], $0x0  }
0x24: {  	s3 =	sadd.s32 $0x88, s3;
	s6 =	simm.s32 @!p1 $0x1082;
	[sflag:s4] =	ssyncset.s32 $0xFFFFF086  }
0x25: {  	[simem:s6], [sflag:s4] =	dma.local [hbm:s3], $0xF7A  }
0x26: {  	[smem:$0x3F93] =	sst s1;
	(tag) =	ssettag s2;
	_ =	strace s9  }
0x27: {  	s1 =	sld [smem:$0x3FA3]  }
0x28: {  	s2 =	sld [smem:$0x3FA4]  }
0x29: {  	s4 =	sld [smem:$0x3FA6]  }
0x2a: {  	p0 =	seq.s32 s5, $0x0;
	s5 =	sld [smem:$0x3FA7]  }
0x2b: {  	s6 =	sld [smem:$0x3FA8]  }
0x2c: {  	s7 =	sld [smem:$0x3FA9]  }
0x2d: {  	s3 =	simm.s32 $0x108;
	s8 =	sld [smem:$0x3FAA]  }
0x2e: {  	s3 =	simm.s32 @!p0 $0x1082;
	s9 =	sld [smem:$0x3FAB]  }
0x2f: {  	lr =	sadd.s32 s0, s3;
	s0 =	sld [smem:$0x3FA2]  }
0x30: {  	s3 =	sld [smem:$0x3FA5]  }
0x31: {  	[smem:$0x3FAE] =	sst s10  }
0x32: {  	s10 =	sld [smem:$0x3FAC];
	_ =	sdelay $0x3  }
0x33: {  	p0 =	seq.s32 s10, $0x1;
	s10 =	sld [smem:$0x3FAE];
	_ =	sdelay $0x3  }
0x34: {  	[smem:$0x3FAE] =	sst s10  }
0x35: {  	s10 =	sld [smem:$0x3FAD];
	_ =	sdelay $0x3  }
0x36: {  	p1 =	seq.s32 s10, $0x1;
	s10 =	sld [smem:$0x3FAE];
	_ =	sdelay $0x3  }
0x37: {  	[smem:$0x3FAE] =	sst s10  }
0x38: {  	s10 =	sld [smem:$0x3FAF]  }
0x39: {  	_ = 	snop;
	(pc) =	sbr.ind lr, $3  }
0x3a: {  	_ = 	snop  }
0x3b: {  	_ = 	snop  }
0x3c: {  	p2 =	seq.s32 s10, $0x1;
	s10 =	sld [smem:$0x3FAE]  }
0x3d: {  	_ =	shalt  }
0x3e: {  	_ =	shalt  }
0x3f: {  	_ =	shalt  }
0x40: {  	_ =	shalt  }
0x41: {  	_ =	shalt  }
0x42: {  	_ =	shalt  }
0x43: {  	_ =	shalt  }
0x44: {  	_ =	shalt  }
0x45: {  	_ =	shalt  }
0x46: {  	_ =	shalt  }
0x47: {  	_ =	shalt  }
0x48: {  	_ =	shalt  }
0x49: {  	_ =	shalt  }
0x4a: {  	_ =	shalt  }
0x4b: {  	_ =	shalt  }
0x4c: {  	_ =	shalt  }
0x4d: {  	_ =	shalt  }
0x4e: {  	_ =	shalt  }
0x4f: {  	_ =	shalt  }
0x50: {  	_ =	shalt  }
0x51: {  	_ =	shalt  }
0x52: {  	_ =	shalt  }
0x53: {  	_ =	shalt  }
0x54: {  	_ =	shalt  }
0x55: {  	_ =	shalt  }
0x56: {  	_ =	shalt  }
0x57: {  	_ =	shalt  }
0x58: {  	_ =	shalt  }
0x59: {  	_ =	shalt  }
0x5a: {  	_ =	shalt  }
0x5b: {  	_ =	shalt  }
0x5c: {  	_ =	shalt  }
0x5d: {  	_ =	shalt  }
0x5e: {  	_ =	shalt  }
0x5f: {  	_ =	shalt  }
0x60: {  	_ =	shalt  }
0x61: {  	_ =	shalt  }
0x62: {  	_ =	shalt  }
0x63: {  	_ =	shalt  }
0x64: {  	_ =	shalt  }
0x65: {  	_ =	shalt  }
0x66: {  	_ =	shalt  }
0x67: {  	_ =	shalt  }
0x68: {  	_ =	shalt  }
0x69: {  	_ =	shalt  }
0x6a: {  	_ =	shalt  }
0x6b: {  	_ =	shalt  }
0x6c: {  	_ =	shalt  }
0x6d: {  	_ =	shalt  }
0x6e: {  	_ =	shalt  }
0x6f: {  	_ =	shalt  }
0x70: {  	_ =	shalt  }
0x71: {  	_ =	shalt  }
0x72: {  	_ =	shalt  }
0x73: {  	_ =	shalt  }
0x74: {  	_ =	shalt  }
0x75: {  	_ =	shalt  }
0x76: {  	_ =	shalt  }
0x77: {  	_ =	shalt  }
0x78: {  	_ =	shalt  }
0x79: {  	_ =	shalt  }
0x7a: {  	_ =	shalt  }
0x7b: {  	_ =	shalt  }
0x7c: {  	_ =	shalt  }
0x7d: {  	_ =	shalt  }
0x7e: {  	_ =	shalt  }
0x7f: {  	_ =	shalt  }
0x80: {  	_ =	shalt  }
0x81: {  	_ =	shalt  }
0x82: {  	_ =	shalt  }
0x83: {  	_ =	shalt  }
0x84: {  	_ =	shalt  }
0x85: {  	_ =	shalt  }
0x86: {  	_ =	shalt  }
0x87: {  	_ =	shalt  }
.Lfunc_end0:
.L_simem_size_0:
called_computation.1_lowered:
.L_overlay_start_0:
0x88: {  	s2 =	sld [smem:$0x3FD9]  }
0x89: {  	s3 =	sld [smem:$0x3FFE];
	_ =	sdelay $0x1  }
0x8a: {  	s1 =	srdreg.scid  }
0x8b: {  	s0 =	sand.u32 $0x1, s1  }
0x8c: {  	s16 =	sshll.u32 s0, $0xA;
	s2 =	sadd.s32 s3, s2  }
0x8d: {  	s2 =	sadd.s32 s2, s16  }
0x8e: {  	[smem:$0x3FBA] =	sst s2  }
0x8f: {  	_ = 	snop  }
0x90: {  	(tm) =	ssettm $0x1  }
0x91: {  	s17 =	sld [smem:$0x3FFB];
	_ =	sdelay $0x3  }
0x92: {  	_ =	strace s17  }
0x93: {  	s2 =	sld [smem:$0x3FFC];
	_ =	sdelay $0x3  }
0x94: {  	_ =	strace s2  }
0x95: {  	s2 =	sld [smem:$0x3FFD];
	_ =	sdelay $0x3  }
0x96: {  	_ =	strace s2  }
0x97: {  	_ =	strace $0x8FFFFFFF  }
0x98: {  	s18 =	sld [smem:$0x3FDB];
	_ =	sdelay $0x1  }
0x99: {  	s19 =	simm.s32 $_scs_section_size  }
0x9a: {  	s4 =	simm.s32 $_size__tile_overlayer_lowered;
	s5 =	simm.s32 $_tile_overlayer_lowered  }
0x9b: {  	s22 =	simm.s32 $0x1BFF;
	s21 =	sshll.u32 s5, $0x1;
	s2 =	sadd.s32 s19, s18  }
0x9c: {  	s6 =	simm.s32 $0x0;
	s20 =	sshll.u32 s4, $0x1;
	s4 =	sadd.s32 s21, s2  }
0x9d: {  	[timem:s6], [sflag:s22] =	dma.local [hbm:s4], s20  }
0x9e: {  	_ =	swait.ge [sflag:s22], s20  }
0x9f: {  	s3 =	ssub.s32 $0x0, s20;
	[sflag:s22] =	ssyncset.done $0x0  }
0xa0: {  	[sflag:s22] =	ssyncadd.s32 s3;
	_ =	sdelay $0x1  }
0xa1: {  	s23 =	simm.s32 $0x1B8B  }
0xa2: {  	_ =	swait.ge [sflag:s23], $0x1  }
0xa3: {  	[sflag:s23] =	ssyncset.done $0x0  }
0xa4: {  	s25 =	simm.s32 $0x1B8E;
	s24 =	sld [smem:$0x3FFE];
	[sflag:s23] =	ssyncadd.s32 $0xFFFFFFFF  }
0xa5: {  	s26 =	simm.s32 $execute0_lowered;
	[smem:$0x3FD2] =	sst s25  }
0xa6: {  	s4 =	sshll.u32 s26, $0x1;
	_ =	strace $0x80000049;
	[dreg:$0x1] =	wrdreg $0xFFFFFFFF  }
0xa7: {  	s28 =	simm.s32 $_size_execute0_lowered;
	s2 =	sadd.s32 s2, s4;
	[dreg:$0x0] =	wrdreg $0x0  }
0xa8: {  	s4 =	sshll.u32 s28, $0x1;
	[dreg:$0x2] =	wrdreg s2  }
0xa9: {  	[dreg:$0x3] =	wrdreg s4  }
0xaa: {  	[dreg:$0x4] =	wrdreg $0xC0  }
0xab: {  	_ =	task [dreg:s6], $0x5FFFF  }
0xac: {  	[dreg:$0x1] =	wrdreg $0xFFFFFFFF  }
0xad: {  	[dreg:$0x0] =	wrdreg $0x60  }
0xae: {  	[dreg:$0x2] =	wrdreg s24  }
0xaf: {  	[dreg:$0x3] =	wrdreg $0x0  }
0xb0: {  	[dreg:$0x4] =	wrdreg $0x9  }
0xb1: {  	_ =	task.clear_ibuf [dreg:s6], $0x5FFFF;
	_ =	strace $0x90000049  }
0xb2: {  	s29 =	simm.s32 $0x9;
	_ =	strace $0x8000004B  }
0xb3: {  	_ =	swait.ge [sflag:s29], $0x1  }
0xb4: {  	[sflag:s29] =	ssyncadd.s32 $0xFFFFFFFF  }
0xb5: {  	_ =	strace $0x9000004B  }
0xb6: {  	_ =	sfence  }
0xb7: {  	s30 =	sld [smem:$0x0];
	_ =	sdelay $0x2  }
0xb8: {  	s31 =	sshll.u32 s1, $0xD;
	s1 =	sshrl.u32 s1, $0x2  }
0xb9: {  	s3 =	sand.u32 $0x4000, s31;
	s1 =	sadd.s32 s1, s30  }
0xba: {  	s0 =	sor.u32 s3, s0;
	s1 =	sshll.u32 s1, $0x11  }
0xbb: {  	s0 =	sor.u32 s1, s0  }
0xbc: {  	s0 =	sadd.s32 $0x8F2B, s0  }
0xbd: {  	[sflag:s0] =	ssyncadd.remote.s32 $0x1  }
0xbe: {  	_ =	sfence.sel $0xFFFF  }
0xbf: {  	[dreg:$0x0] =	wrdreg $0xFFFFFFFF;
	(pc) =	sbr.abs _section_cstart, $3  }
0xc0: {  	[dreg:$0x1] =	wrdreg $0xFFFFFFFF  }
0xc1: {  	_ =	task.clear_ibuf [dreg:s6], $0x2FFFF;
	_ =	strace $0x9FFFFFFF  }
0xc2: {  	(tm) =	ssettm $0x7FFFFFFF  }
0xc3: {  	_ =	shalt  }
tec
execute0_lowered:
.L_overlay_start_1:
0x0: {  	(tag) =	ssettag $0x1  }
0x1: {  	s12 =	rddreg [dreg:$0x0]  }
0x2: {  	s1 =	rddreg [dreg:$0x1]  }
0x3: {  	s0 =	rddreg [dreg:$0x2];
	s2 =	simm.s32 $0x0  }
0x4: {  	s10 =	srdreg.scid;
	s6 =	stileid.u32;
	s19 =	simm.s32 $0x16380  }
0x5: {  	s20 =	simm.s32 $0x16E00;
	s21 =	simm.s32 $0x80;
	s22 =	simm.s32 $0x17880  }
0x6: {  	s23 =	simm.s32 $0x1;
	[smem:$0x7FF] =	sst s2;
	s3 =	sadd.s32 $0xE4000, s12  }
0x7: {  	s4 =	sadd.s32 $0xB7800, s12;
	s5 =	sadd.s32 $0x4200, s12;
	s7 =	sadd.s32 $0x120200, s12  }
0x8: {  	s8 =	sadd.s32 $0x116E00, s12;
	s9 =	sadd.s32 $0xD600, s12;
	s13 =	sand.u32 $0x1, s10  }
0x9: {  	s10 =	sadd.s32 $0x16A00, s12;
	s15 =	smul.u32 $0x16380, s6;
	s11 =	sadd.s32 $0x155E00, s12  }
.Ltmp0:
0xa: {  	s12 =	sadd.s32 $0x129600, s12;
	s18 =	sshll.u32 s6, $0x6;
	(pc) =	sbr.rel .LBB2_1-.Ltmp0, $4  }
0xb: {  	_ =	strace $0x8000004A;
	s14 =	ssub.s32 $0x2, s13;
	p0 =	seq.s32 s13, $0x1  }
0xc: {  	s13 =	smul.u32 $0x4980, s6;
	s16 =	sshrl.u32 s14, $0x1;
	s17 =	sadd.s32 s15, s1  }
0xd: {  	s16 =	ssub.s32 s14, s16;
	s14 =	sshrl.u32 s15, $0x3;
	s17 =	sshrl.u32 s17, $0x3  }
0xe: {  	s15 =	smax.u32 s16, $0x1;
	s16 =	sor.u32 $0x1C02, s18;
	s18 =	simm.s32 $0x2  }
.LBB2_10:
0xf: {  	s2 =	sadd.s32 $0x1, s2  }
0x10: {  	p1 =	sne.s32 s2, s15  }
.Ltmp1:
0x11: {  	s24 =	sadd.s32 s24, s14;
	[bflag:$0x0] =	sbarrier.arrive $0xFFFF;
	(pc) =	sbr.rel @!p1 .LBB2_11-.Ltmp1, $4  }
0x12: {  	[hbm:s24], [sflag:s16] =	dma.local [spmem:s17], $0x2C70  }
0x13: {  	_ =	swait.ge [sflag:s18], $0x2C70  }
0x14: {  	[sflag:s18] =	ssyncset.done $0x0  }
0x15: {  	[sflag:s18] =	ssyncadd.s32 $0xFFFFD390  }
.LBB2_1:
0x16: {  	[spmem:s17], [sflag:s16] =	dma.local [hbm:s10], $0x2C70  }
.Ltmp2:
0x17: {  	_ =	swait.ge [sflag:s18], $0x2C70;
	(pc) =	sbr.rel @!p0 .LBB2_2-.Ltmp2, $4  }
0x18: {  	[sflag:s18] =	ssyncset.done $0x0  }
0x19: {  	[sflag:s18] =	ssyncadd.s32 $0xFFFFD390  }
0x1a: {  	[bflag:$0x0] =	sbarrier.arrive $0xFFFF  }
0x1b: {  	s24 =	simm.s32 $0x0;
	s25 =	simm.s32 $0x0  }
.LBB2_6:
0x1c: {  	s24 =	smul.u32 $0xA80, s25;
	_ =	sdelay $0x1  }
0x1d: {  	s24 =	sadd.s32 s13, s24  }
0x1e: {  	s24 =	sshrl.u32 s24, $0x3  }
0x1f: {  	s28 =	simm.s32 $0x0;
	s26 =	sadd.s32 s8, s24  }
0x20: {  	[tilespmem:s19], [sflag:$0x2] =	stream.linear.gather [hbm4b:s26+s28], $0xA80, $0x38;
	[tilespmem:$0x1C080] =	vst v63  }
0x21: {  	_ =	swait.ge [sflag:s18], $0xA80  }
0x22: {  	[sflag:s18] =	ssyncset.done $0x0  }
0x23: {  	s24 =	sadd.s32 s9, s24;
	[sflag:s18] =	ssyncadd.s32 $0xFFFFF580  }
0x24: {  	[tilespmem:s20], [sflag:$0x2] =	stream.linear.gather [hbm4b:s24+s28], $0xA80, $0x38;
	[tilespmem:$0x1C080] =	vst v63  }
0x25: {  	_ =	swait.ge [sflag:s18], $0xA80  }
0x26: {  	[sflag:s18] =	ssyncset.done $0x0  }
0x27: {  	s30 =	simm.s32 $0x16380;
	[sflag:s18] =	ssyncadd.s32 $0xFFFFF580  }
0x28: {  	[tilespmem:s22], [sflag:$0x1] =	stream.indirect.gather [hbm4b:s4+s21], $0x90, s30, s21, $0xb8;
	[tilespmem:$0x1C080] =	vst v63  }
0x29: {  	_ =	swait.ge [sflag:s23], $0x4800  }
0x2a: {  	[sflag:s23] =	ssyncset.done $0x0  }
0x2b: {  	s31 =	simm.s32 $0x16E00;
	[sflag:s23] =	ssyncadd.s32 $0xFFFFB800  }
0x2c: {  	[spmem:s1] =	stream.indirect.scatter.add.f32 [tilespmem:s22], [sflag:$0x2], $0x90, s31, s21, $0xb8;
	[tilespmem:$0x1C080] =	vst v63  }
0x2d: {  	_ =	swait.ge [sflag:s18], $0x4800  }
0x2e: {  	s26 =	simm.s32 $0x400;
	s24 =	simm.s32 $0x80;
	[sflag:s18] =	ssyncset.done $0x0  }
.LBB2_7:
0x2f: {  	s28 =	sadd.s32 $0x16380, s24  }
0x30: {  	[sflag:s18] =	ssyncadd.s32 $0xFFFFB800;
	s29 =	smov.u32 s26;
	s30 =	sadd.s32 $0x200, s26  }
0x31: {  	[tilespmem:s22], [sflag:$0x1] =	stream.indirect.gather [hbm4b:s4+s21], $0x90, s28, s21, $0xb8;
	[tilespmem:$0x1C080] =	vst v63  }
0x32: {  	p1 =	sne.s32 s26, $0x2800;
	_ =	swait.ge [sflag:s23], $0x4800  }
.Ltmp3:
0x33: {  	[sflag:s23] =	ssyncset.done $0x0;
	(pc) =	sbr.rel @p1 .LBB2_7-.Ltmp3, $4  }
0x34: {  	s24 =	sadd.s32 $0x16E00, s24;
	[sflag:s23] =	ssyncadd.s32 $0xFFFFB800  }
0x35: {  	[spmem:s1] =	stream.indirect.scatter.add.f32 [tilespmem:s22], [sflag:$0x2], $0x90, s24, s21, $0xb8;
	[tilespmem:$0x1C080] =	vst v63  }
0x36: {  	_ =	swait.ge [sflag:s18], $0x4800  }
0x37: {  	s26 =	smov.u32 s30;
	s24 =	sshra.s32 s29, $0x2;
	[sflag:s18] =	ssyncset.done $0x0  }
0x38: {  	s26 =	sadd.s32 $0x16380, s24;
	[sflag:s18] =	ssyncadd.s32 $0xFFFFB800  }
0x39: {  	[tilespmem:s22], [sflag:$0x1] =	stream.indirect.gather [hbm4b:s4+s21], $0x90, s26, s21, $0xb8;
	[tilespmem:$0x1C080] =	vst v63  }
0x3a: {  	s25 =	sadd.s32 $0x1, s25;
	_ =	swait.ge [sflag:s23], $0x4800  }
0x3b: {  	p1 =	sne.s32 s25, $0x7;
	[sflag:s23] =	ssyncset.done $0x0  }
.Ltmp4:
0x3c: {  	s31 =	sadd.s32 $0x16E00, s24;
	[sflag:s23] =	ssyncadd.s32 $0xFFFFB800;
	(pc) =	sbr.rel @p1 .LBB2_6-.Ltmp4, $4  }
0x3d: {  	[spmem:s1] =	stream.indirect.scatter.add.f32 [tilespmem:s22], [sflag:$0x2], $0x90, s31, s21, $0xb8;
	[tilespmem:$0x1C080] =	vst v63  }
0x3e: {  	_ =	swait.ge [sflag:s18], $0x4800  }
0x3f: {  	[sflag:s18] =	ssyncset.done $0x0  }
0x40: {  	[sflag:s18] =	ssyncadd.s32 $0xFFFFB800  }
.Ltmp5:
0x41: {  	(pc) =	sbr.rel .LBB2_10-.Ltmp5, $2  }
0x42: {  	_ =	sdelay $0x2  }
0x43: {  	s24 =	smov.u32 s12  }
.LBB2_2:
0x44: {  	s25 =	smul.u32 $0xA80, s24;
	_ =	sdelay $0x1  }
0x45: {  	s25 =	sadd.s32 s13, s25  }
0x46: {  	s25 =	sshrl.u32 s25, $0x3  }
0x47: {  	s28 =	simm.s32 $0x0;
	s26 =	sadd.s32 s5, s25  }
0x48: {  	[tilespmem:s19], [sflag:$0x2] =	stream.linear.gather [hbm4b:s26+s28], $0xA80, $0x38;
	[tilespmem:$0x1C080] =	vst v63  }
0x49: {  	_ =	swait.ge [sflag:s18], $0xA80  }
0x4a: {  	[sflag:s18] =	ssyncset.done $0x0  }
0x4b: {  	s25 =	sadd.s32 s7, s25;
	[sflag:s18] =	ssyncadd.s32 $0xFFFFF580  }
0x4c: {  	[tilespmem:s20], [sflag:$0x2] =	stream.linear.gather [hbm4b:s25+s28], $0xA80, $0x38;
	[tilespmem:$0x1C080] =	vst v63  }
0x4d: {  	_ =	swait.ge [sflag:s18], $0xA80  }
0x4e: {  	[sflag:s18] =	ssyncset.done $0x0  }
0x4f: {  	s30 =	simm.s32 $0x16380;
	[sflag:s18] =	ssyncadd.s32 $0xFFFFF580  }
0x50: {  	[tilespmem:s22], [sflag:$0x1] =	stream.indirect.gather [hbm4b:s3+s21], $0x90, s30, s21, $0xb8;
	[tilespmem:$0x1C080] =	vst v63  }
0x51: {  	_ =	swait.ge [sflag:s23], $0x4800  }
0x52: {  	[sflag:s23] =	ssyncset.done $0x0  }
0x53: {  	s31 =	simm.s32 $0x16E00;
	[sflag:s23] =	ssyncadd.s32 $0xFFFFB800  }
0x54: {  	[spmem:s1] =	stream.indirect.scatter.add.f32 [tilespmem:s22], [sflag:$0x2], $0x90, s31, s21, $0xb8;
	[tilespmem:$0x1C080] =	vst v63  }
0x55: {  	_ =	swait.ge [sflag:s18], $0x4800  }
0x56: {  	s26 =	simm.s32 $0x400;
	s25 =	simm.s32 $0x80;
	[sflag:s18] =	ssyncset.done $0x0  }
.LBB2_3:
0x57: {  	s28 =	sadd.s32 $0x16380, s25  }
0x58: {  	[sflag:s18] =	ssyncadd.s32 $0xFFFFB800;
	s29 =	smov.u32 s26;
	s30 =	sadd.s32 $0x200, s26  }
0x59: {  	[tilespmem:s22], [sflag:$0x1] =	stream.indirect.gather [hbm4b:s3+s21], $0x90, s28, s21, $0xb8;
	[tilespmem:$0x1C080] =	vst v63  }
0x5a: {  	p1 =	sne.s32 s26, $0x2800;
	_ =	swait.ge [sflag:s23], $0x4800  }
.Ltmp6:
0x5b: {  	[sflag:s23] =	ssyncset.done $0x0;
	(pc) =	sbr.rel @p1 .LBB2_3-.Ltmp6, $4  }
0x5c: {  	s25 =	sadd.s32 $0x16E00, s25;
	[sflag:s23] =	ssyncadd.s32 $0xFFFFB800  }
0x5d: {  	[spmem:s1] =	stream.indirect.scatter.add.f32 [tilespmem:s22], [sflag:$0x2], $0x90, s25, s21, $0xb8;
	[tilespmem:$0x1C080] =	vst v63  }
0x5e: {  	_ =	swait.ge [sflag:s18], $0x4800  }
0x5f: {  	s26 =	smov.u32 s30;
	s25 =	sshra.s32 s29, $0x2;
	[sflag:s18] =	ssyncset.done $0x0  }
0x60: {  	s26 =	sadd.s32 $0x16380, s25;
	[sflag:s18] =	ssyncadd.s32 $0xFFFFB800  }
0x61: {  	[tilespmem:s22], [sflag:$0x1] =	stream.indirect.gather [hbm4b:s3+s21], $0x90, s26, s21, $0xb8;
	[tilespmem:$0x1C080] =	vst v63  }
0x62: {  	s24 =	sadd.s32 $0x1, s24;
	_ =	swait.ge [sflag:s23], $0x4800  }
0x63: {  	p1 =	seq.s32 s24, $0x7;
	[sflag:s23] =	ssyncset.done $0x0  }
.Ltmp7:
0x64: {  	s31 =	sadd.s32 $0x16E00, s25;
	[sflag:s23] =	ssyncadd.s32 $0xFFFFB800;
	(pc) =	sbr.rel @!p1 .LBB2_2-.Ltmp7, $4  }
0x65: {  	[spmem:s1] =	stream.indirect.scatter.add.f32 [tilespmem:s22], [sflag:$0x2], $0x90, s31, s21, $0xb8;
	[tilespmem:$0x1C080] =	vst v63  }
0x66: {  	_ =	swait.ge [sflag:s18], $0x4800  }
0x67: {  	[sflag:s18] =	ssyncset.done $0x0  }
0x68: {  	[sflag:s18] =	ssyncadd.s32 $0xFFFFB800  }
.Ltmp8:
0x69: {  	(pc) =	sbr.rel .LBB2_10-.Ltmp8, $2  }
0x6a: {  	_ =	sdelay $0x2  }
0x6b: {  	s24 =	smov.u32 s11  }
.LBB2_11:
0x6c: {  	_ =	sfence.sel $0x180000  }
0x6d: {  	[bflag:$0x0] =	sbarrier.arrive $0xFFFF  }
0x6e: {  	p0 =	sne.s32 s6, $0x0;
	_ =	strace $0x9000004A  }
0x6f: {  	s0 =	sadd.s32 @!p0 $0x100000, s0;
	[bflag:$0x2] =	sbarrier.arrive $0xFFFF  }
0x70: {  	[sflag:s0] =	ssyncadd.tile.s32 @!p0 $0x1;
	_ =	shalt  }
.Lfunc_end2:
_tile_overlayer_lowered:
.L_overlay_start_2:
0x71: {  	(tag) =	ssettag $0x2  }
0x72: {  	s0 =	rddreg [dreg:$0x0];
	s2 =	stileid.u32  }
0x73: {  	s1 =	rddreg [dreg:$0x1];
	p0 =	sne.s32 s2, $0x0  }
0x74: {  	s3 =	rddreg [dreg:$0x2];
	[bflag:$0x3] =	sbarrier.arrive $0xFFFF;
	s2 =	simm.s32 @!p0 $0x1C02  }
0x75: {  	[timem:s3], [sflag:s2] =	dma.local @!p0 [hbm:s0], s1  }
0x76: {  	s0 =	simm.s32 @!p0 $0x2  }
0x77: {  	_ =	swait.ge @!p0 [sflag:s0], s1  }
0x78: {  	s1 =	ssub.s32 @!p0 $0x0, s1;
	[sflag:s0] =	ssyncset.done @!p0 $0x0  }
0x79: {  	[sflag:s0] =	ssyncadd.s32 @!p0 s1  }
0x7a: {  	[bflag:$0x3] =	sbarrier.arrive $0xFFFF  }
0x7b: {  	_ =	shalt  }

// kernel: kernel.13.cloned.1.call-start
scs
__scs_entry_jumppad:
0x0: {  	(pc) =	sbr.rel $0x88, $3  }
0x1: {  	(tag) =	ssettag $0x0;
	lr =	simm.s32 $0x1  }
0x2: {  	[smem:$0x3F93] =	sst lr;
	_ =	strace $0xD0000000  }
0x3: {  	_ = 	snop  }
0x4: {  	_ = 	snop  }
0x5: {  	_ = 	snop  }
0x6: {  	_ = 	snop  }
0x7: {  	_ = 	snop  }
__scs_overlays_trampoline_lowered:
0x8: {  	[smem:$0x3FA2] =	sst s0  }
0x9: {  	[smem:$0x3FA3] =	sst s1  }
0xa: {  	[smem:$0x3FA4] =	sst s2  }
0xb: {  	[smem:$0x3FA5] =	sst s3  }
0xc: {  	[smem:$0x3FA6] =	sst s4  }
0xd: {  	[smem:$0x3FA7] =	sst s5  }
0xe: {  	[smem:$0x3FA8] =	sst s6  }
0xf: {  	[smem:$0x3FA9] =	sst s7  }
0x10: {  	[smem:$0x3FAA] =	sst s8  }
0x11: {  	[smem:$0x3FAB] =	sst s9;
	s0 =	simm.s32 @!p0 $0x0  }
0x12: {  	s1 =	sld [smem:$0x3F91];
	s0 =	simm.s32 @p0 $0x1  }
0x13: {  	[smem:$0x3FAC] =	sst s0;
	s0 =	simm.s32 @!p1 $0x0  }
0x14: {  	s2 =	sld [smem:$0x3F90];
	s0 =	simm.s32 @p1 $0x1  }
0x15: {  	[smem:$0x3FAD] =	sst s0;
	s0 =	simm.s32 @!p2 $0x0  }
0x16: {  	s3 =	sld [smem:$0x3FDB];
	s0 =	simm.s32 @p2 $0x1  }
0x17: {  	s4 =	simm.s32 $0x1BF5;
	[smem:$0x3FAF] =	sst s0  }
0x18: {  	s0 =	sld [smem:$0x3F92];
	_ =	swait.ge [sflag:s4], $0x0  }
0x19: {  	s7 =	sld [smem:$0x3F93]  }
0x1a: {  	s8 =	sadd.s32 $0xFFFFE003, lr  }
0x1b: {  	s9 =	sadd.s32 $0xFFFFFEF7, lr;
	s5 =	simm.s32 $0xFFFFFFFF;
	p2 =	slt.u32 s8, $0xFFFFF086  }
0x1c: {  	p1 =	slt.u32 s9, $0xF7A;
	s5 =	simm.s32 @!p2 $0x0  }
0x1d: {  	s5 =	simm.s32 @p1 $0x1;
	p0 =	seq.s32 s7, s2  }
0x1e: {  	s7 =	smul.u32 @!p0 $0xF7A, s2;
	p2 =	seq.s32 @!p0 s5, $0x0  }
0x1f: {  	s9 =	smul.u32 $0xF7A, s1;
	s8 =	simm.s32 @!p0 $0x1BF5;
	p2 =	por !p2, p0  }
0x20: {  	[sflag:s8] =	ssyncset.s32 @!p0 $0xFFFFF086;
	s6 =	sadd.s32 @!p0 s3, s7;
	s7 =	simm.s32 @!p0 $0x108  }
0x21: {  	s3 =	sadd.s32 s3, s9;
	s6 =	sadd.s32 @!p0 $0x88, s6;
	s7 =	simm.s32 @p2 $0x1082  }
0x22: {  	[simem:s7], [sflag:s8] =	dma.local @!p0 [hbm:s6], $0xF7A  }
0x23: {  	s9 =	sor.u32 $0xD0000000, s2;
	s6 =	simm.s32 $0x108;
	_ =	swait.ge @!p0 [sflag:s8], $0x0  }
0x24: {  	s3 =	sadd.s32 $0x88, s3;
	s6 =	simm.s32 @!p1 $0x1082;
	[sflag:s4] =	ssyncset.s32 $0xFFFFF086  }
0x25: {  	[simem:s6], [sflag:s4] =	dma.local [hbm:s3], $0xF7A  }
0x26: {  	[smem:$0x3F93] =	sst s1;
	(tag) =	ssettag s2;
	_ =	strace s9  }
0x27: {  	s1 =	sld [smem:$0x3FA3]  }
0x28: {  	s2 =	sld [smem:$0x3FA4]  }
0x29: {  	s4 =	sld [smem:$0x3FA6]  }
0x2a: {  	p0 =	seq.s32 s5, $0x0;
	s5 =	sld [smem:$0x3FA7]  }
0x2b: {  	s6 =	sld [smem:$0x3FA8]  }
0x2c: {  	s7 =	sld [smem:$0x3FA9]  }
0x2d: {  	s3 =	simm.s32 $0x108;
	s8 =	sld [smem:$0x3FAA]  }
0x2e: {  	s3 =	simm.s32 @!p0 $0x1082;
	s9 =	sld [smem:$0x3FAB]  }
0x2f: {  	lr =	sadd.s32 s0, s3;
	s0 =	sld [smem:$0x3FA2]  }
0x30: {  	s3 =	sld [smem:$0x3FA5]  }
0x31: {  	[smem:$0x3FAE] =	sst s10  }
0x32: {  	s10 =	sld [smem:$0x3FAC];
	_ =	sdelay $0x3  }
0x33: {  	p0 =	seq.s32 s10, $0x1;
	s10 =	sld [smem:$0x3FAE];
	_ =	sdelay $0x3  }
0x34: {  	[smem:$0x3FAE] =	sst s10  }
0x35: {  	s10 =	sld [smem:$0x3FAD];
	_ =	sdelay $0x3  }
0x36: {  	p1 =	seq.s32 s10, $0x1;
	s10 =	sld [smem:$0x3FAE];
	_ =	sdelay $0x3  }
0x37: {  	[smem:$0x3FAE] =	sst s10  }
0x38: {  	s10 =	sld [smem:$0x3FAF]  }
0x39: {  	_ = 	snop;
	(pc) =	sbr.ind lr, $3  }
0x3a: {  	_ = 	snop  }
0x3b: {  	_ = 	snop  }
0x3c: {  	p2 =	seq.s32 s10, $0x1;
	s10 =	sld [smem:$0x3FAE]  }
0x3d: {  	_ =	shalt  }
0x3e: {  	_ =	shalt  }
0x3f: {  	_ =	shalt  }
0x40: {  	_ =	shalt  }
0x41: {  	_ =	shalt  }
0x42: {  	_ =	shalt  }
0x43: {  	_ =	shalt  }
0x44: {  	_ =	shalt  }
0x45: {  	_ =	shalt  }
0x46: {  	_ =	shalt  }
0x47: {  	_ =	shalt  }
0x48: {  	_ =	shalt  }
0x49: {  	_ =	shalt  }
0x4a: {  	_ =	shalt  }
0x4b: {  	_ =	shalt  }
0x4c: {  	_ =	shalt  }
0x4d: {  	_ =	shalt  }
0x4e: {  	_ =	shalt  }
0x4f: {  	_ =	shalt  }
0x50: {  	_ =	shalt  }
0x51: {  	_ =	shalt  }
0x52: {  	_ =	shalt  }
0x53: {  	_ =	shalt  }
0x54: {  	_ =	shalt  }
0x55: {  	_ =	shalt  }
0x56: {  	_ =	shalt  }
0x57: {  	_ =	shalt  }
0x58: {  	_ =	shalt  }
0x59: {  	_ =	shalt  }
0x5a: {  	_ =	shalt  }
0x5b: {  	_ =	shalt  }
0x5c: {  	_ =	shalt  }
0x5d: {  	_ =	shalt  }
0x5e: {  	_ =	shalt  }
0x5f: {  	_ =	shalt  }
0x60: {  	_ =	shalt  }
0x61: {  	_ =	shalt  }
0x62: {  	_ =	shalt  }
0x63: {  	_ =	shalt  }
0x64: {  	_ =	shalt  }
0x65: {  	_ =	shalt  }
0x66: {  	_ =	shalt  }
0x67: {  	_ =	shalt  }
0x68: {  	_ =	shalt  }
0x69: {  	_ =	shalt  }
0x6a: {  	_ =	shalt  }
0x6b: {  	_ =	shalt  }
0x6c: {  	_ =	shalt  }
0x6d: {  	_ =	shalt  }
0x6e: {  	_ =	shalt  }
0x6f: {  	_ =	shalt  }
0x70: {  	_ =	shalt  }
0x71: {  	_ =	shalt  }
0x72: {  	_ =	shalt  }
0x73: {  	_ =	shalt  }
0x74: {  	_ =	shalt  }
0x75: {  	_ =	shalt  }
0x76: {  	_ =	shalt  }
0x77: {  	_ =	shalt  }
0x78: {  	_ =	shalt  }
0x79: {  	_ =	shalt  }
0x7a: {  	_ =	shalt  }
0x7b: {  	_ =	shalt  }
0x7c: {  	_ =	shalt  }
0x7d: {  	_ =	shalt  }
0x7e: {  	_ =	shalt  }
0x7f: {  	_ =	shalt  }
0x80: {  	_ =	shalt  }
0x81: {  	_ =	shalt  }
0x82: {  	_ =	shalt  }
0x83: {  	_ =	shalt  }
0x84: {  	_ =	shalt  }
0x85: {  	_ =	shalt  }
0x86: {  	_ =	shalt  }
0x87: {  	_ =	shalt  }
.Lfunc_end0:
.L_simem_size_0:
called_computation.2_lowered:
.L_overlay_start_0:
0x88: {  	s2 =	sld [smem:$0x3FD9]  }
0x89: {  	s3 =	sld [smem:$0x3FFE];
	_ =	sdelay $0x1  }
0x8a: {  	s1 =	srdreg.scid  }
0x8b: {  	s0 =	sand.u32 $0x1, s1  }
0x8c: {  	s17 =	sshll.u32 s0, $0xA;
	s2 =	sadd.s32 s3, s2  }
0x8d: {  	s2 =	sadd.s32 s2, s17  }
0x8e: {  	[smem:$0x3FBA] =	sst s2  }
0x8f: {  	_ = 	snop  }
0x90: {  	s2 =	sld [smem:$0x3FBD]  }
0x91: {  	s18 =	sld [smem:$0x3FBC]  }
0x92: {  	s4 =	sld [smem:$0x3FD0];
	(tm) =	ssettm $0x1  }
0x93: {  	s5 =	sld [smem:$0x3FFB];
	_ =	sdelay $0x3  }
0x94: {  	_ =	strace s5  }
0x95: {  	s5 =	sld [smem:$0x3FFC];
	_ =	sdelay $0x3  }
0x96: {  	_ =	strace s5  }
0x97: {  	s5 =	sld [smem:$0x3FFD];
	_ =	sdelay $0x3  }
0x98: {  	_ =	strace s5  }
0x99: {  	_ =	strace $0x8FFFFFFF  }
0x9a: {  	s19 =	sld [smem:$0x3FDB];
	_ =	sdelay $0x1  }
0x9b: {  	s6 =	simm.s32 $_scs_section_size  }
0x9c: {  	s7 =	simm.s32 $_size__tile_overlayer_lowered;
	s8 =	simm.s32 $_tile_overlayer_lowered  }
0x9d: {  	s22 =	simm.s32 $0x1BFF;
	s21 =	sshll.u32 s8, $0x1;
	s5 =	sadd.s32 s6, s19  }
0x9e: {  	s9 =	simm.s32 $0x0;
	s20 =	sshll.u32 s7, $0x1;
	s7 =	sadd.s32 s21, s5  }
0x9f: {  	[timem:s9], [sflag:s22] =	dma.local [hbm:s7], s20  }
0xa0: {  	_ =	swait.ge [sflag:s22], s20  }
0xa1: {  	s6 =	ssub.s32 $0x0, s20;
	[sflag:s22] =	ssyncset.done $0x0  }
0xa2: {  	[sflag:s22] =	ssyncadd.s32 s6;
	_ =	sdelay $0x1  }
0xa3: {  	s23 =	simm.s32 $0x1B8B  }
0xa4: {  	_ =	swait.ge [sflag:s23], $0x1  }
0xa5: {  	[sflag:s23] =	ssyncset.done $0x0  }
0xa6: {  	s25 =	simm.s32 $0x1B8E;
	s24 =	sld [smem:$0x3FFE];
	[sflag:s23] =	ssyncadd.s32 $0xFFFFFFFF  }
0xa7: {  	s26 =	simm.s32 $execute0_lowered;
	[smem:$0x3FD2] =	sst s25  }
0xa8: {  	s7 =	sshll.u32 s26, $0x1;
	_ =	strace $0x8000004C;
	[dreg:$0x1] =	wrdreg $0xFFFFFFFF  }
0xa9: {  	s28 =	simm.s32 $_size_execute0_lowered;
	s5 =	sadd.s32 s5, s7;
	[dreg:$0x0] =	wrdreg $0x0  }
0xaa: {  	s7 =	sshll.u32 s28, $0x1;
	[dreg:$0x2] =	wrdreg s5  }
0xab: {  	[dreg:$0x3] =	wrdreg s7  }
0xac: {  	[dreg:$0x4] =	wrdreg $0xC0  }
0xad: {  	_ =	task [dreg:s9], $0x5FFFF  }
0xae: {  	[dreg:$0x1] =	wrdreg $0xFFFFFFFF  }
0xaf: {  	[dreg:$0x0] =	wrdreg $0x60  }
0xb0: {  	[dreg:$0x2] =	wrdreg s24  }
0xb1: {  	[dreg:$0x3] =	wrdreg s2  }
0xb2: {  	[dreg:$0x4] =	wrdreg s18  }
0xb3: {  	[dreg:$0x5] =	wrdreg s4  }
0xb4: {  	[dreg:$0x6] =	wrdreg $0x9  }
0xb5: {  	_ =	task.clear_ibuf [dreg:s9], $0x7FFFF;
	_ =	strace $0x9000004C  }
0xb6: {  	s29 =	simm.s32 $0x9;
	_ =	strace $0x8000004E  }
0xb7: {  	_ =	swait.ge [sflag:s29], $0x1  }
0xb8: {  	[sflag:s29] =	ssyncadd.s32 $0xFFFFFFFF  }
0xb9: {  	_ =	strace $0x9000004E  }
0xba: {  	_ =	sfence  }
0xbb: {  	s30 =	sld [smem:$0x0];
	_ =	sdelay $0x2  }
0xbc: {  	s31 =	sshll.u32 s1, $0xD;
	s1 =	sshrl.u32 s1, $0x2  }
0xbd: {  	s3 =	sand.u32 $0x4000, s31;
	s1 =	sadd.s32 s1, s30  }
0xbe: {  	s0 =	sor.u32 s3, s0;
	s1 =	sshll.u32 s1, $0x11  }
0xbf: {  	s0 =	sor.u32 s1, s0  }
0xc0: {  	s0 =	sadd.s32 $0x8F2B, s0  }
0xc1: {  	[sflag:s0] =	ssyncadd.remote.s32 $0x1  }
0xc2: {  	_ =	sfence.sel $0xFFFF  }
0xc3: {  	[dreg:$0x0] =	wrdreg $0xFFFFFFFF;
	(pc) =	sbr.abs _section_cstart, $3  }
0xc4: {  	[dreg:$0x1] =	wrdreg $0xFFFFFFFF  }
0xc5: {  	_ =	task.clear_ibuf [dreg:s9], $0x2FFFF;
	_ =	strace $0x9FFFFFFF  }
0xc6: {  	(tm) =	ssettm $0x7FFFFFFF  }
0xc7: {  	_ =	shalt  }
tec
execute0_lowered:
.L_overlay_start_1:
0x0: {  	(tag) =	ssettag $0x1  }
0x1: {  	s4 =	rddreg [dreg:$0x0]  }
0x2: {  	s5 =	rddreg [dreg:$0x1]  }
0x3: {  	s6 =	rddreg [dreg:$0x2]  }
0x4: {  	s7 =	rddreg [dreg:$0x3]  }
0x5: {  	s0 =	rddreg [dreg:$0x4];
	s1 =	simm.s32 $0x0;
	s2 =	srdreg.scid  }
0x6: {  	s12 =	simm.s32 $0x4F80;
	s13 =	simm.s32 $0x5000;
	[smem:$0x7FF] =	sst s1  }
0x7: {  	s8 =	sand.u32 $0x1, s2;
	s3 =	sadd.s32 $0x4200, s4;
	s2 =	stileid.u32  }
0x8: {  	s4 =	sadd.s32 $0x4800, s4;
	_ =	strace $0x8000004D;
	s9 =	ssub.s32 $0x2, s8  }
0x9: {  	s11 =	sshll.u32 s2, $0x5;
	s8 =	sshll.u32 s8, $0x4;
	s10 =	sshrl.u32 s9, $0x1  }
0xa: {  	s8 =	sor.u32 s8, s11;
	s11 =	simm.s32 $0x4F00;
	s9 =	ssub.s32 s9, s10  }
0xb: {  	s5 =	sadd.s32 s5, s8;
	s6 =	sadd.s32 s6, s8;
	s7 =	sadd.s32 s7, s8  }
0xc: {  	s10 =	simm.s32 $0x2780;
	s8 =	smax.u32 s9, $0x1;
	s9 =	simm.s32 $0x1  }
.LBB2_1:
0xd: {  	[tilespmem:s1], [sflag:$0x1] =	stream.linear.gather [hbm4b:s3+s1], $0x2780, $0x38;
	[tilespmem:$0x5080] =	vst v63  }
0xe: {  	_ =	swait.ge [sflag:s9], $0x2780  }
0xf: {  	[sflag:s9] =	ssyncset.done $0x0  }
0x10: {  	[sflag:s9] =	ssyncadd.s32 $0xFFFFD880  }
0x11: {  	[tilespmem:s10], [sflag:$0x1] =	stream.linear.gather [hbm4b:s4+s1], $0x2780, $0x38;
	[tilespmem:$0x5080] =	vst v63  }
0x12: {  	_ =	swait.ge [sflag:s9], $0x2780  }
0x13: {  	[sflag:s9] =	ssyncset.done $0x0  }
0x14: {  	[sflag:s9] =	ssyncadd.s32 $0xFFFFD880  }
0x15: {  	[tilespmem:s11], [sflag:$0x1] =	stream.linear.gather [hbm4b:s5+s1], $0x80, $0x38;
	[tilespmem:$0x5080] =	vst v63  }
0x16: {  	_ =	swait.ge [sflag:s9], $0x80  }
0x17: {  	[sflag:s9] =	ssyncset.done $0x0  }
0x18: {  	[sflag:s9] =	ssyncadd.s32 $0xFFFFFF80  }
0x19: {  	[tilespmem:s12], [sflag:$0x1] =	stream.linear.gather [hbm4b:s6+s1], $0x80, $0x38;
	[tilespmem:$0x5080] =	vst v63  }
0x1a: {  	_ =	swait.ge [sflag:s9], $0x80  }
0x1b: {  	[sflag:s9] =	ssyncset.done $0x0  }
0x1c: {  	[sflag:s9] =	ssyncadd.s32 $0xFFFFFF80  }
0x1d: {  	v0 =	vld [tilespmem:$0x4F00]  }
0x1e: {  	v1 =	vld [tilespmem:$0x4F80];
	_ =	sdelay $0x6  }
0x1f: {  	v0 =	vld.idx.msk [tilespmem:v0+s1+$0x0], $0xffff  }
0x20: {  	v1 =	vld.idx.msk [tilespmem:v1+s10+$0x0], $0xffff;
	_ =	sdelay $0x4  }
0x21: {  	v0 =	vadd.f32 v1, v0;
	_ =	sdelay $0x1  }
0x22: {  	v0 =	vsub.f32 $0.0e+00, v0;
	_ =	sdelay $0x1  }
0x23: {  	v0 =	vmul.f32 $1.442695020e+00, v0;
	_ =	sdelay $0x1  }
0x24: {  	(erf) = vpow2.f32 v0;
	_ =	sdelay $0x8  }
0x25: {  	v0 =	vpop (erf)  }
0x26: {  	v0 =	vadd.f32 $1.000000000e+00, v0;
	_ =	sdelay $0x1  }
0x27: {  	(erf) = vrcp.f32 v0;
	_ =	sdelay $0x2  }
0x28: {  	v44 =	vld [tilespmem:$0x4F10]  }
0x29: {  	v45 =	vld [tilespmem:$0x4F90];
	_ =	sdelay $0x4  }
0x2a: {  	v2 =	vpop (erf)  }
0x2b: {  	[tilespmem:$0x5000] =	vst v2  }
0x2c: {  	v0 =	vld.idx.msk [tilespmem:v44+s1+$0x0], $0xffff  }
0x2d: {  	v1 =	vld.idx.msk [tilespmem:v45+s10+$0x0], $0xffff;
	_ =	sdelay $0x4  }
0x2e: {  	v0 =	vadd.f32 v1, v0;
	_ =	sdelay $0x1  }
0x2f: {  	v0 =	vsub.f32 $0.0e+00, v0;
	_ =	sdelay $0x1  }
0x30: {  	v0 =	vmul.f32 $1.442695020e+00, v0;
	_ =	sdelay $0x1  }
0x31: {  	(erf) = vpow2.f32 v0;
	_ =	sdelay $0x8  }
0x32: {  	v0 =	vpop (erf)  }
0x33: {  	v0 =	vadd.f32 $1.000000000e+00, v0;
	_ =	sdelay $0x1  }
0x34: {  	(erf) = vrcp.f32 v0;
	_ =	sdelay $0x2  }
0x35: {  	v46 =	vld [tilespmem:$0x4F20]  }
0x36: {  	v47 =	vld [tilespmem:$0x4FA0];
	_ =	sdelay $0x4  }
0x37: {  	v48 =	vpop (erf)  }
0x38: {  	[tilespmem:$0x5010] =	vst v48  }
0x39: {  	v0 =	vld.idx.msk [tilespmem:v46+s1+$0x0], $0xffff  }
0x3a: {  	v1 =	vld.idx.msk [tilespmem:v47+s10+$0x0], $0xffff;
	_ =	sdelay $0x4  }
0x3b: {  	v0 =	vadd.f32 v1, v0;
	_ =	sdelay $0x1  }
0x3c: {  	v0 =	vsub.f32 $0.0e+00, v0;
	_ =	sdelay $0x1  }
0x3d: {  	v0 =	vmul.f32 $1.442695020e+00, v0;
	_ =	sdelay $0x1  }
0x3e: {  	(erf) = vpow2.f32 v0;
	_ =	sdelay $0x8  }
0x3f: {  	v0 =	vpop (erf)  }
0x40: {  	v0 =	vadd.f32 $1.000000000e+00, v0;
	_ =	sdelay $0x1  }
0x41: {  	(erf) = vrcp.f32 v0;
	_ =	sdelay $0x2  }
0x42: {  	v49 =	vld [tilespmem:$0x4F30]  }
0x43: {  	v50 =	vld [tilespmem:$0x4FB0];
	_ =	sdelay $0x4  }
0x44: {  	v51 =	vpop (erf)  }
0x45: {  	[tilespmem:$0x5020] =	vst v51  }
0x46: {  	v0 =	vld.idx.msk [tilespmem:v49+s1+$0x0], $0xffff  }
0x47: {  	v1 =	vld.idx.msk [tilespmem:v50+s10+$0x0], $0xffff;
	_ =	sdelay $0x4  }
0x48: {  	v0 =	vadd.f32 v1, v0;
	_ =	sdelay $0x1  }
0x49: {  	v0 =	vsub.f32 $0.0e+00, v0;
	_ =	sdelay $0x1  }
0x4a: {  	v0 =	vmul.f32 $1.442695020e+00, v0;
	_ =	sdelay $0x1  }
0x4b: {  	(erf) = vpow2.f32 v0;
	_ =	sdelay $0x8  }
0x4c: {  	v0 =	vpop (erf)  }
0x4d: {  	v0 =	vadd.f32 $1.000000000e+00, v0;
	_ =	sdelay $0x1  }
0x4e: {  	(erf) = vrcp.f32 v0;
	_ =	sdelay $0x2  }
0x4f: {  	v52 =	vld [tilespmem:$0x4F40]  }
0x50: {  	v53 =	vld [tilespmem:$0x4FC0];
	_ =	sdelay $0x4  }
0x51: {  	v54 =	vpop (erf)  }
0x52: {  	[tilespmem:$0x5030] =	vst v54  }
0x53: {  	v0 =	vld.idx.msk [tilespmem:v52+s1+$0x0], $0xffff  }
0x54: {  	v1 =	vld.idx.msk [tilespmem:v53+s10+$0x0], $0xffff;
	_ =	sdelay $0x4  }
0x55: {  	v0 =	vadd.f32 v1, v0;
	_ =	sdelay $0x1  }
0x56: {  	v0 =	vsub.f32 $0.0e+00, v0;
	_ =	sdelay $0x1  }
0x57: {  	v0 =	vmul.f32 $1.442695020e+00, v0;
	_ =	sdelay $0x1  }
0x58: {  	(erf) = vpow2.f32 v0;
	_ =	sdelay $0x8  }
0x59: {  	v0 =	vpop (erf)  }
0x5a: {  	v0 =	vadd.f32 $1.000000000e+00, v0;
	_ =	sdelay $0x1  }
0x5b: {  	(erf) = vrcp.f32 v0;
	_ =	sdelay $0x2  }
0x5c: {  	v55 =	vld [tilespmem:$0x4F50]  }
0x5d: {  	v56 =	vld [tilespmem:$0x4FD0];
	_ =	sdelay $0x4  }
0x5e: {  	v57 =	vpop (erf)  }
0x5f: {  	[tilespmem:$0x5040] =	vst v57  }
0x60: {  	v0 =	vld.idx.msk [tilespmem:v55+s1+$0x0], $0xffff  }
0x61: {  	v1 =	vld.idx.msk [tilespmem:v56+s10+$0x0], $0xffff;
	_ =	sdelay $0x4  }
0x62: {  	v0 =	vadd.f32 v1, v0;
	_ =	sdelay $0x1  }
0x63: {  	v0 =	vsub.f32 $0.0e+00, v0;
	_ =	sdelay $0x1  }
0x64: {  	v0 =	vmul.f32 $1.442695020e+00, v0;
	_ =	sdelay $0x1  }
0x65: {  	(erf) = vpow2.f32 v0;
	_ =	sdelay $0x8  }
0x66: {  	v0 =	vpop (erf)  }
0x67: {  	v0 =	vadd.f32 $1.000000000e+00, v0;
	_ =	sdelay $0x1  }
0x68: {  	(erf) = vrcp.f32 v0;
	_ =	sdelay $0x2  }
0x69: {  	v58 =	vld [tilespmem:$0x4F60]  }
0x6a: {  	v59 =	vld [tilespmem:$0x4FE0];
	_ =	sdelay $0x4  }
0x6b: {  	v60 =	vpop (erf)  }
0x6c: {  	[tilespmem:$0x5050] =	vst v60  }
0x6d: {  	v0 =	vld.idx.msk [tilespmem:v58+s1+$0x0], $0xffff  }
0x6e: {  	v1 =	vld.idx.msk [tilespmem:v59+s10+$0x0], $0xffff;
	_ =	sdelay $0x4  }
0x6f: {  	v0 =	vadd.f32 v1, v0;
	_ =	sdelay $0x1  }
0x70: {  	v0 =	vsub.f32 $0.0e+00, v0;
	_ =	sdelay $0x1  }
0x71: {  	v0 =	vmul.f32 $1.442695020e+00, v0;
	_ =	sdelay $0x1  }
0x72: {  	(erf) = vpow2.f32 v0;
	_ =	sdelay $0x8  }
0x73: {  	v0 =	vpop (erf)  }
0x74: {  	v0 =	vadd.f32 $1.000000000e+00, v0;
	_ =	sdelay $0x1  }
0x75: {  	(erf) = vrcp.f32 v0;
	_ =	sdelay $0x2  }
0x76: {  	v61 =	vld [tilespmem:$0x4F70]  }
0x77: {  	v62 =	vld [tilespmem:$0x4FF0];
	_ =	sdelay $0x4  }
0x78: {  	v63 =	vpop (erf)  }
0x79: {  	[tilespmem:$0x5060] =	vst v63  }
0x7a: {  	v0 =	vld.idx.msk [tilespmem:v61+s1+$0x0], $0xffff  }
0x7b: {  	v1 =	vld.idx.msk [tilespmem:v62+s10+$0x0], $0xffff;
	_ =	sdelay $0x4  }
0x7c: {  	v0 =	vadd.f32 v1, v0;
	_ =	sdelay $0x1  }
0x7d: {  	v0 =	vsub.f32 $0.0e+00, v0;
	_ =	sdelay $0x1  }
0x7e: {  	v0 =	vmul.f32 $1.442695020e+00, v0;
	_ =	sdelay $0x1  }
0x7f: {  	(erf) = vpow2.f32 v0;
	_ =	sdelay $0x8  }
0x80: {  	v0 =	vpop (erf)  }
0x81: {  	v0 =	vadd.f32 $1.000000000e+00, v0;
	_ =	sdelay $0x1  }
0x82: {  	(erf) = vrcp.f32 v0;
	_ =	sdelay $0x8  }
0x83: {  	p0 =	sne.s32 s8, $0x1;
	v0 =	vpop (erf)  }
.Ltmp0:
0x84: {  	[tilespmem:$0x5070] =	vst v0;
	(pc) =	sbr.rel @p0 .LBB2_1-.Ltmp0, $4  }
0x85: {  	[hbm4b:s7+s1] =	stream.linear.scatter [tilespmem:s13], [sflag:$0x1], $0x80, $0x38;
	[tilespmem:$0x5080] =	vst v63  }
0x86: {  	_ =	swait.ge [sflag:s9], $0x80  }
0x87: {  	[sflag:s9] =	ssyncset.done $0x0  }
0x88: {  	s8 =	sadd.s32 $0xFFFFFFFF, s8;
	[sflag:s9] =	ssyncadd.s32 $0xFFFFFF80  }
0x89: {  	_ =	sfence.sel $0x180000  }
0x8a: {  	[bflag:$0x0] =	sbarrier.arrive $0xFFFF  }
0x8b: {  	p0 =	sne.s32 s2, $0x0;
	_ =	strace $0x9000004D  }
0x8c: {  	s0 =	sadd.s32 @!p0 $0x100000, s0;
	[bflag:$0x2] =	sbarrier.arrive $0xFFFF  }
0x8d: {  	[sflag:s0] =	ssyncadd.tile.s32 @!p0 $0x1;
	_ =	shalt  }
.Lfunc_end2:
_tile_overlayer_lowered:
.L_overlay_start_2:
0x8e: {  	(tag) =	ssettag $0x2  }
0x8f: {  	s0 =	rddreg [dreg:$0x0];
	s2 =	stileid.u32  }
0x90: {  	s1 =	rddreg [dreg:$0x1];
	p0 =	sne.s32 s2, $0x0  }
0x91: {  	s3 =	rddreg [dreg:$0x2];
	[bflag:$0x3] =	sbarrier.arrive $0xFFFF;
	s2 =	simm.s32 @!p0 $0x1C01  }
0x92: {  	[timem:s3], [sflag:s2] =	dma.local @!p0 [hbm:s0], s1  }
0x93: {  	s0 =	simm.s32 @!p0 $0x1  }
0x94: {  	_ =	swait.ge @!p0 [sflag:s0], s1  }
0x95: {  	s1 =	ssub.s32 @!p0 $0x0, s1;
	[sflag:s0] =	ssyncset.done @!p0 $0x0  }
0x96: {  	[sflag:s0] =	ssyncadd.s32 @!p0 s1  }
0x97: {  	[bflag:$0x3] =	sbarrier.arrive $0xFFFF  }
0x98: {  	_ =	shalt  }

// kernel: kernel.7.cloned.1.call-start
scs
__scs_entry_jumppad:
0x0: {  	(pc) =	sbr.rel $0x88, $3  }
0x1: {  	(tag) =	ssettag $0x0;
	lr =	simm.s32 $0x1  }
0x2: {  	[smem:$0x3F93] =	sst lr;
	_ =	strace $0xD0000000  }
0x3: {  	_ = 	snop  }
0x4: {  	_ = 	snop  }
0x5: {  	_ = 	snop  }
0x6: {  	_ = 	snop  }
0x7: {  	_ = 	snop  }
__scs_overlays_trampoline_lowered:
0x8: {  	[smem:$0x3FA2] =	sst s0  }
0x9: {  	[smem:$0x3FA3] =	sst s1  }
0xa: {  	[smem:$0x3FA4] =	sst s2  }
0xb: {  	[smem:$0x3FA5] =	sst s3  }
0xc: {  	[smem:$0x3FA6] =	sst s4  }
0xd: {  	[smem:$0x3FA7] =	sst s5  }
0xe: {  	[smem:$0x3FA8] =	sst s6  }
0xf: {  	[smem:$0x3FA9] =	sst s7  }
0x10: {  	[smem:$0x3FAA] =	sst s8  }
0x11: {  	[smem:$0x3FAB] =	sst s9;
	s0 =	simm.s32 @!p0 $0x0  }
0x12: {  	s1 =	sld [smem:$0x3F91];
	s0 =	simm.s32 @p0 $0x1  }
0x13: {  	[smem:$0x3FAC] =	sst s0;
	s0 =	simm.s32 @!p1 $0x0  }
0x14: {  	s2 =	sld [smem:$0x3F90];
	s0 =	simm.s32 @p1 $0x1  }
0x15: {  	[smem:$0x3FAD] =	sst s0;
	s0 =	simm.s32 @!p2 $0x0  }
0x16: {  	s3 =	sld [smem:$0x3FDB];
	s0 =	simm.s32 @p2 $0x1  }
0x17: {  	s4 =	simm.s32 $0x1BF5;
	[smem:$0x3FAF] =	sst s0  }
0x18: {  	s0 =	sld [smem:$0x3F92];
	_ =	swait.ge [sflag:s4], $0x0  }
0x19: {  	s7 =	sld [smem:$0x3F93]  }
0x1a: {  	s8 =	sadd.s32 $0xFFFFE003, lr  }
0x1b: {  	s9 =	sadd.s32 $0xFFFFFEF7, lr;
	s5 =	simm.s32 $0xFFFFFFFF;
	p2 =	slt.u32 s8, $0xFFFFF086  }
0x1c: {  	p1 =	slt.u32 s9, $0xF7A;
	s5 =	simm.s32 @!p2 $0x0  }
0x1d: {  	s5 =	simm.s32 @p1 $0x1;
	p0 =	seq.s32 s7, s2  }
0x1e: {  	s7 =	smul.u32 @!p0 $0xF7A, s2;
	p2 =	seq.s32 @!p0 s5, $0x0  }
0x1f: {  	s9 =	smul.u32 $0xF7A, s1;
	s8 =	simm.s32 @!p0 $0x1BF5;
	p2 =	por !p2, p0  }
0x20: {  	[sflag:s8] =	ssyncset.s32 @!p0 $0xFFFFF086;
	s6 =	sadd.s32 @!p0 s3, s7;
	s7 =	simm.s32 @!p0 $0x108  }
0x21: {  	s3 =	sadd.s32 s3, s9;
	s6 =	sadd.s32 @!p0 $0x88, s6;
	s7 =	simm.s32 @p2 $0x1082  }
0x22: {  	[simem:s7], [sflag:s8] =	dma.local @!p0 [hbm:s6], $0xF7A  }
0x23: {  	s9 =	sor.u32 $0xD0000000, s2;
	s6 =	simm.s32 $0x108;
	_ =	swait.ge @!p0 [sflag:s8], $0x0  }
0x24: {  	s3 =	sadd.s32 $0x88, s3;
	s6 =	simm.s32 @!p1 $0x1082;
	[sflag:s4] =	ssyncset.s32 $0xFFFFF086  }
0x25: {  	[simem:s6], [sflag:s4] =	dma.local [hbm:s3], $0xF7A  }
0x26: {  	[smem:$0x3F93] =	sst s1;
	(tag) =	ssettag s2;
	_ =	strace s9  }
0x27: {  	s1 =	sld [smem:$0x3FA3]  }
0x28: {  	s2 =	sld [smem:$0x3FA4]  }
0x29: {  	s4 =	sld [smem:$0x3FA6]  }
0x2a: {  	p0 =	seq.s32 s5, $0x0;
	s5 =	sld [smem:$0x3FA7]  }
0x2b: {  	s6 =	sld [smem:$0x3FA8]  }
0x2c: {  	s7 =	sld [smem:$0x3FA9]  }
0x2d: {  	s3 =	simm.s32 $0x108;
	s8 =	sld [smem:$0x3FAA]  }
0x2e: {  	s3 =	simm.s32 @!p0 $0x1082;
	s9 =	sld [smem:$0x3FAB]  }
0x2f: {  	lr =	sadd.s32 s0, s3;
	s0 =	sld [smem:$0x3FA2]  }
0x30: {  	s3 =	sld [smem:$0x3FA5]  }
0x31: {  	[smem:$0x3FAE] =	sst s10  }
0x32: {  	s10 =	sld [smem:$0x3FAC];
	_ =	sdelay $0x3  }
0x33: {  	p0 =	seq.s32 s10, $0x1;
	s10 =	sld [smem:$0x3FAE];
	_ =	sdelay $0x3  }
0x34: {  	[smem:$0x3FAE] =	sst s10  }
0x35: {  	s10 =	sld [smem:$0x3FAD];
	_ =	sdelay $0x3  }
0x36: {  	p1 =	seq.s32 s10, $0x1;
	s10 =	sld [smem:$0x3FAE];
	_ =	sdelay $0x3  }
0x37: {  	[smem:$0x3FAE] =	sst s10  }
0x38: {  	s10 =	sld [smem:$0x3FAF]  }
0x39: {  	_ = 	snop;
	(pc) =	sbr.ind lr, $3  }
0x3a: {  	_ = 	snop  }
0x3b: {  	_ = 	snop  }
0x3c: {  	p2 =	seq.s32 s10, $0x1;
	s10 =	sld [smem:$0x3FAE]  }
0x3d: {  	_ =	shalt  }
0x3e: {  	_ =	shalt  }
0x3f: {  	_ =	shalt  }
0x40: {  	_ =	shalt  }
0x41: {  	_ =	shalt  }
0x42: {  	_ =	shalt  }
0x43: {  	_ =	shalt  }
0x44: {  	_ =	shalt  }
0x45: {  	_ =	shalt  }
0x46: {  	_ =	shalt  }
0x47: {  	_ =	shalt  }
0x48: {  	_ =	shalt  }
0x49: {  	_ =	shalt  }
0x4a: {  	_ =	shalt  }
0x4b: {  	_ =	shalt  }
0x4c: {  	_ =	shalt  }
0x4d: {  	_ =	shalt  }
0x4e: {  	_ =	shalt  }
0x4f: {  	_ =	shalt  }
0x50: {  	_ =	shalt  }
0x51: {  	_ =	shalt  }
0x52: {  	_ =	shalt  }
0x53: {  	_ =	shalt  }
0x54: {  	_ =	shalt  }
0x55: {  	_ =	shalt  }
0x56: {  	_ =	shalt  }
0x57: {  	_ =	shalt  }
0x58: {  	_ =	shalt  }
0x59: {  	_ =	shalt  }
0x5a: {  	_ =	shalt  }
0x5b: {  	_ =	shalt  }
0x5c: {  	_ =	shalt  }
0x5d: {  	_ =	shalt  }
0x5e: {  	_ =	shalt  }
0x5f: {  	_ =	shalt  }
0x60: {  	_ =	shalt  }
0x61: {  	_ =	shalt  }
0x62: {  	_ =	shalt  }
0x63: {  	_ =	shalt  }
0x64: {  	_ =	shalt  }
0x65: {  	_ =	shalt  }
0x66: {  	_ =	shalt  }
0x67: {  	_ =	shalt  }
0x68: {  	_ =	shalt  }
0x69: {  	_ =	shalt  }
0x6a: {  	_ =	shalt  }
0x6b: {  	_ =	shalt  }
0x6c: {  	_ =	shalt  }
0x6d: {  	_ =	shalt  }
0x6e: {  	_ =	shalt  }
0x6f: {  	_ =	shalt  }
0x70: {  	_ =	shalt  }
0x71: {  	_ =	shalt  }
0x72: {  	_ =	shalt  }
0x73: {  	_ =	shalt  }
0x74: {  	_ =	shalt  }
0x75: {  	_ =	shalt  }
0x76: {  	_ =	shalt  }
0x77: {  	_ =	shalt  }
0x78: {  	_ =	shalt  }
0x79: {  	_ =	shalt  }
0x7a: {  	_ =	shalt  }
0x7b: {  	_ =	shalt  }
0x7c: {  	_ =	shalt  }
0x7d: {  	_ =	shalt  }
0x7e: {  	_ =	shalt  }
0x7f: {  	_ =	shalt  }
0x80: {  	_ =	shalt  }
0x81: {  	_ =	shalt  }
0x82: {  	_ =	shalt  }
0x83: {  	_ =	shalt  }
0x84: {  	_ =	shalt  }
0x85: {  	_ =	shalt  }
0x86: {  	_ =	shalt  }
0x87: {  	_ =	shalt  }
.Lfunc_end0:
.L_simem_size_0:
called_computation_lowered:
.L_overlay_start_0:
0x88: {  	s2 =	sld [smem:$0x3FD9]  }
0x89: {  	s3 =	sld [smem:$0x3FFE];
	_ =	sdelay $0x1  }
0x8a: {  	s1 =	srdreg.scid  }
0x8b: {  	s0 =	sand.u32 $0x1, s1  }
0x8c: {  	s16 =	sshll.u32 s0, $0xA;
	s2 =	sadd.s32 s3, s2  }
0x8d: {  	s2 =	sadd.s32 s2, s16  }
0x8e: {  	[smem:$0x3FBA] =	sst s2  }
0x8f: {  	_ = 	snop  }
0x90: {  	(tm) =	ssettm $0x1  }
0x91: {  	s17 =	sld [smem:$0x3FFB];
	_ =	sdelay $0x3  }
0x92: {  	_ =	strace s17  }
0x93: {  	s2 =	sld [smem:$0x3FFC];
	_ =	sdelay $0x3  }
0x94: {  	_ =	strace s2  }
0x95: {  	s2 =	sld [smem:$0x3FFD];
	_ =	sdelay $0x3  }
0x96: {  	_ =	strace s2  }
0x97: {  	_ =	strace $0x8FFFFFFF  }
0x98: {  	s18 =	sld [smem:$0x3FDB];
	_ =	sdelay $0x1  }
0x99: {  	s19 =	simm.s32 $_scs_section_size  }
0x9a: {  	s4 =	simm.s32 $_size__tile_overlayer_lowered;
	s5 =	simm.s32 $_tile_overlayer_lowered  }
0x9b: {  	s22 =	simm.s32 $0x1BFF;
	s21 =	sshll.u32 s5, $0x1;
	s2 =	sadd.s32 s19, s18  }
0x9c: {  	s6 =	simm.s32 $0x0;
	s20 =	sshll.u32 s4, $0x1;
	s4 =	sadd.s32 s21, s2  }
0x9d: {  	[timem:s6], [sflag:s22] =	dma.local [hbm:s4], s20  }
0x9e: {  	_ =	swait.ge [sflag:s22], s20  }
0x9f: {  	s3 =	ssub.s32 $0x0, s20;
	[sflag:s22] =	ssyncset.done $0x0  }
0xa0: {  	[sflag:s22] =	ssyncadd.s32 s3;
	_ =	sdelay $0x1  }
0xa1: {  	s23 =	simm.s32 $0x1B8B  }
0xa2: {  	_ =	swait.ge [sflag:s23], $0x1  }
0xa3: {  	[sflag:s23] =	ssyncset.done $0x0  }
0xa4: {  	s25 =	simm.s32 $0x1B8E;
	s24 =	sld [smem:$0x3FFE];
	[sflag:s23] =	ssyncadd.s32 $0xFFFFFFFF  }
0xa5: {  	s26 =	simm.s32 $execute0_lowered;
	[smem:$0x3FD2] =	sst s25  }
0xa6: {  	s4 =	sshll.u32 s26, $0x1;
	_ =	strace $0x80000046;
	[dreg:$0x1] =	wrdreg $0xFFFFFFFF  }
0xa7: {  	s28 =	simm.s32 $_size_execute0_lowered;
	s2 =	sadd.s32 s2, s4;
	[dreg:$0x0] =	wrdreg $0x0  }
0xa8: {  	s4 =	sshll.u32 s28, $0x1;
	[dreg:$0x2] =	wrdreg s2  }
0xa9: {  	[dreg:$0x3] =	wrdreg s4  }
0xaa: {  	[dreg:$0x4] =	wrdreg $0xC0  }
0xab: {  	_ =	task [dreg:s6], $0x5FFFF  }
0xac: {  	[dreg:$0x1] =	wrdreg $0xFFFFFFFF  }
0xad: {  	[dreg:$0x0] =	wrdreg $0x60  }
0xae: {  	[dreg:$0x2] =	wrdreg s24  }
0xaf: {  	[dreg:$0x3] =	wrdreg $0x0  }
0xb0: {  	[dreg:$0x4] =	wrdreg $0x9  }
0xb1: {  	_ =	task.clear_ibuf [dreg:s6], $0x5FFFF;
	_ =	strace $0x90000046  }
0xb2: {  	s29 =	simm.s32 $0x9;
	_ =	strace $0x80000048  }
0xb3: {  	_ =	swait.ge [sflag:s29], $0x1  }
0xb4: {  	[sflag:s29] =	ssyncadd.s32 $0xFFFFFFFF  }
0xb5: {  	_ =	strace $0x90000048  }
0xb6: {  	_ =	sfence  }
0xb7: {  	s30 =	sld [smem:$0x0];
	_ =	sdelay $0x2  }
0xb8: {  	s31 =	sshll.u32 s1, $0xD;
	s1 =	sshrl.u32 s1, $0x2  }
0xb9: {  	s3 =	sand.u32 $0x4000, s31;
	s1 =	sadd.s32 s1, s30  }
0xba: {  	s0 =	sor.u32 s3, s0;
	s1 =	sshll.u32 s1, $0x11  }
0xbb: {  	s0 =	sor.u32 s1, s0  }
0xbc: {  	s0 =	sadd.s32 $0x8F2B, s0  }
0xbd: {  	[sflag:s0] =	ssyncadd.remote.s32 $0x1  }
0xbe: {  	_ =	sfence.sel $0xFFFF  }
0xbf: {  	[dreg:$0x0] =	wrdreg $0xFFFFFFFF;
	(pc) =	sbr.abs _section_cstart, $3  }
0xc0: {  	[dreg:$0x1] =	wrdreg $0xFFFFFFFF  }
0xc1: {  	_ =	task.clear_ibuf [dreg:s6], $0x2FFFF;
	_ =	strace $0x9FFFFFFF  }
0xc2: {  	(tm) =	ssettm $0x7FFFFFFF  }
0xc3: {  	_ =	shalt  }
tec
execute0_lowered:
.L_overlay_start_1:
0x0: {  	(tag) =	ssettag $0x1  }
0x1: {  	s12 =	rddreg [dreg:$0x0]  }
0x2: {  	s1 =	rddreg [dreg:$0x1]  }
0x3: {  	s0 =	rddreg [dreg:$0x2];
	s2 =	simm.s32 $0x0  }
0x4: {  	s10 =	srdreg.scid;
	s6 =	stileid.u32;
	s19 =	simm.s32 $0x16380  }
0x5: {  	s20 =	simm.s32 $0x16E00;
	s21 =	simm.s32 $0x80;
	s22 =	simm.s32 $0x17880  }
0x6: {  	s23 =	simm.s32 $0x1;
	[smem:$0x7FF] =	sst s2;
	s3 =	sadd.s32 $0xEA600, s12  }
0x7: {  	s4 =	sadd.s32 $0x6EE00, s12;
	s5 =	sadd.s32 $0x4200, s12;
	s7 =	sadd.s32 $0x120200, s12  }
0x8: {  	s8 =	sadd.s32 $0x116E00, s12;
	s9 =	sadd.s32 $0xD600, s12;
	s13 =	sand.u32 $0x1, s10  }
0x9: {  	s10 =	sadd.s32 $0x16A00, s12;
	s15 =	smul.u32 $0x16380, s6;
	s11 =	sadd.s32 $0x129600, s12  }
.Ltmp0:
0xa: {  	s12 =	sadd.s32 $0x155E00, s12;
	s18 =	sshll.u32 s6, $0x6;
	(pc) =	sbr.rel .LBB2_1-.Ltmp0, $4  }
0xb: {  	_ =	strace $0x80000047;
	s14 =	ssub.s32 $0x2, s13;
	p0 =	seq.s32 s13, $0x1  }
0xc: {  	s13 =	smul.u32 $0x4980, s6;
	s16 =	sshrl.u32 s14, $0x1;
	s17 =	sadd.s32 s15, s1  }
0xd: {  	s16 =	ssub.s32 s14, s16;
	s14 =	sshrl.u32 s15, $0x3;
	s17 =	sshrl.u32 s17, $0x3  }
0xe: {  	s15 =	smax.u32 s16, $0x1;
	s16 =	sor.u32 $0x1C02, s18;
	s18 =	simm.s32 $0x2  }
.LBB2_10:
0xf: {  	s2 =	sadd.s32 $0x1, s2  }
0x10: {  	p1 =	sne.s32 s2, s15  }
.Ltmp1:
0x11: {  	s24 =	sadd.s32 s24, s14;
	[bflag:$0x0] =	sbarrier.arrive $0xFFFF;
	(pc) =	sbr.rel @!p1 .LBB2_11-.Ltmp1, $4  }
0x12: {  	[hbm:s24], [sflag:s16] =	dma.local [spmem:s17], $0x2C70  }
0x13: {  	_ =	swait.ge [sflag:s18], $0x2C70  }
0x14: {  	[sflag:s18] =	ssyncset.done $0x0  }
0x15: {  	[sflag:s18] =	ssyncadd.s32 $0xFFFFD390  }
.LBB2_1:
0x16: {  	[spmem:s17], [sflag:s16] =	dma.local [hbm:s10], $0x2C70  }
.Ltmp2:
0x17: {  	_ =	swait.ge [sflag:s18], $0x2C70;
	(pc) =	sbr.rel @!p0 .LBB2_2-.Ltmp2, $4  }
0x18: {  	[sflag:s18] =	ssyncset.done $0x0  }
0x19: {  	[sflag:s18] =	ssyncadd.s32 $0xFFFFD390  }
0x1a: {  	[bflag:$0x0] =	sbarrier.arrive $0xFFFF  }
0x1b: {  	s24 =	simm.s32 $0x0;
	s25 =	simm.s32 $0x0  }
.LBB2_6:
0x1c: {  	s24 =	smul.u32 $0xA80, s25;
	_ =	sdelay $0x1  }
0x1d: {  	s24 =	sadd.s32 s13, s24  }
0x1e: {  	s24 =	sshrl.u32 s24, $0x3  }
0x1f: {  	s28 =	simm.s32 $0x0;
	s26 =	sadd.s32 s8, s24  }
0x20: {  	[tilespmem:s19], [sflag:$0x2] =	stream.linear.gather [hbm4b:s26+s28], $0xA80, $0x38;
	[tilespmem:$0x1C080] =	vst v63  }
0x21: {  	_ =	swait.ge [sflag:s18], $0xA80  }
0x22: {  	[sflag:s18] =	ssyncset.done $0x0  }
0x23: {  	s24 =	sadd.s32 s9, s24;
	[sflag:s18] =	ssyncadd.s32 $0xFFFFF580  }
0x24: {  	[tilespmem:s20], [sflag:$0x2] =	stream.linear.gather [hbm4b:s24+s28], $0xA80, $0x38;
	[tilespmem:$0x1C080] =	vst v63  }
0x25: {  	_ =	swait.ge [sflag:s18], $0xA80  }
0x26: {  	[sflag:s18] =	ssyncset.done $0x0  }
0x27: {  	s30 =	simm.s32 $0x16380;
	[sflag:s18] =	ssyncadd.s32 $0xFFFFF580  }
0x28: {  	[tilespmem:s22], [sflag:$0x1] =	stream.indirect.gather [hbm4b:s4+s21], $0x90, s30, s21, $0xb8;
	[tilespmem:$0x1C080] =	vst v63  }
0x29: {  	_ =	swait.ge [sflag:s23], $0x4800  }
0x2a: {  	[sflag:s23] =	ssyncset.done $0x0  }
0x2b: {  	s31 =	simm.s32 $0x16E00;
	[sflag:s23] =	ssyncadd.s32 $0xFFFFB800  }
0x2c: {  	[spmem:s1] =	stream.indirect.scatter.add.f32 [tilespmem:s22], [sflag:$0x2], $0x90, s31, s21, $0xb8;
	[tilespmem:$0x1C080] =	vst v63  }
0x2d: {  	_ =	swait.ge [sflag:s18], $0x4800  }
0x2e: {  	s26 =	simm.s32 $0x400;
	s24 =	simm.s32 $0x80;
	[sflag:s18] =	ssyncset.done $0x0  }
.LBB2_7:
0x2f: {  	s28 =	sadd.s32 $0x16380, s24  }
0x30: {  	[sflag:s18] =	ssyncadd.s32 $0xFFFFB800;
	s29 =	smov.u32 s26;
	s30 =	sadd.s32 $0x200, s26  }
0x31: {  	[tilespmem:s22], [sflag:$0x1] =	stream.indirect.gather [hbm4b:s4+s21], $0x90, s28, s21, $0xb8;
	[tilespmem:$0x1C080] =	vst v63  }
0x32: {  	p1 =	sne.s32 s26, $0x2800;
	_ =	swait.ge [sflag:s23], $0x4800  }
.Ltmp3:
0x33: {  	[sflag:s23] =	ssyncset.done $0x0;
	(pc) =	sbr.rel @p1 .LBB2_7-.Ltmp3, $4  }
0x34: {  	s24 =	sadd.s32 $0x16E00, s24;
	[sflag:s23] =	ssyncadd.s32 $0xFFFFB800  }
0x35: {  	[spmem:s1] =	stream.indirect.scatter.add.f32 [tilespmem:s22], [sflag:$0x2], $0x90, s24, s21, $0xb8;
	[tilespmem:$0x1C080] =	vst v63  }
0x36: {  	_ =	swait.ge [sflag:s18], $0x4800  }
0x37: {  	s26 =	smov.u32 s30;
	s24 =	sshra.s32 s29, $0x2;
	[sflag:s18] =	ssyncset.done $0x0  }
0x38: {  	s26 =	sadd.s32 $0x16380, s24;
	[sflag:s18] =	ssyncadd.s32 $0xFFFFB800  }
0x39: {  	[tilespmem:s22], [sflag:$0x1] =	stream.indirect.gather [hbm4b:s4+s21], $0x90, s26, s21, $0xb8;
	[tilespmem:$0x1C080] =	vst v63  }
0x3a: {  	s25 =	sadd.s32 $0x1, s25;
	_ =	swait.ge [sflag:s23], $0x4800  }
0x3b: {  	p1 =	sne.s32 s25, $0x7;
	[sflag:s23] =	ssyncset.done $0x0  }
.Ltmp4:
0x3c: {  	s31 =	sadd.s32 $0x16E00, s24;
	[sflag:s23] =	ssyncadd.s32 $0xFFFFB800;
	(pc) =	sbr.rel @p1 .LBB2_6-.Ltmp4, $4  }
0x3d: {  	[spmem:s1] =	stream.indirect.scatter.add.f32 [tilespmem:s22], [sflag:$0x2], $0x90, s31, s21, $0xb8;
	[tilespmem:$0x1C080] =	vst v63  }
0x3e: {  	_ =	swait.ge [sflag:s18], $0x4800  }
0x3f: {  	[sflag:s18] =	ssyncset.done $0x0  }
0x40: {  	[sflag:s18] =	ssyncadd.s32 $0xFFFFB800  }
.Ltmp5:
0x41: {  	(pc) =	sbr.rel .LBB2_10-.Ltmp5, $2  }
0x42: {  	_ =	sdelay $0x2  }
0x43: {  	s24 =	smov.u32 s12  }
.LBB2_2:
0x44: {  	s25 =	smul.u32 $0xA80, s24;
	_ =	sdelay $0x1  }
0x45: {  	s25 =	sadd.s32 s13, s25  }
0x46: {  	s25 =	sshrl.u32 s25, $0x3  }
0x47: {  	s28 =	simm.s32 $0x0;
	s26 =	sadd.s32 s5, s25  }
0x48: {  	[tilespmem:s19], [sflag:$0x2] =	stream.linear.gather [hbm4b:s26+s28], $0xA80, $0x38;
	[tilespmem:$0x1C080] =	vst v63  }
0x49: {  	_ =	swait.ge [sflag:s18], $0xA80  }
0x4a: {  	[sflag:s18] =	ssyncset.done $0x0  }
0x4b: {  	s25 =	sadd.s32 s7, s25;
	[sflag:s18] =	ssyncadd.s32 $0xFFFFF580  }
0x4c: {  	[tilespmem:s20], [sflag:$0x2] =	stream.linear.gather [hbm4b:s25+s28], $0xA80, $0x38;
	[tilespmem:$0x1C080] =	vst v63  }
0x4d: {  	_ =	swait.ge [sflag:s18], $0xA80  }
0x4e: {  	[sflag:s18] =	ssyncset.done $0x0  }
0x4f: {  	s30 =	simm.s32 $0x16380;
	[sflag:s18] =	ssyncadd.s32 $0xFFFFF580  }
0x50: {  	[tilespmem:s22], [sflag:$0x1] =	stream.indirect.gather [hbm4b:s3+s21], $0x90, s30, s21, $0xb8;
	[tilespmem:$0x1C080] =	vst v63  }
0x51: {  	_ =	swait.ge [sflag:s23], $0x4800  }
0x52: {  	[sflag:s23] =	ssyncset.done $0x0  }
0x53: {  	s31 =	simm.s32 $0x16E00;
	[sflag:s23] =	ssyncadd.s32 $0xFFFFB800  }
0x54: {  	[spmem:s1] =	stream.indirect.scatter.add.f32 [tilespmem:s22], [sflag:$0x2], $0x90, s31, s21, $0xb8;
	[tilespmem:$0x1C080] =	vst v63  }
0x55: {  	_ =	swait.ge [sflag:s18], $0x4800  }
0x56: {  	s26 =	simm.s32 $0x400;
	s25 =	simm.s32 $0x80;
	[sflag:s18] =	ssyncset.done $0x0  }
.LBB2_3:
0x57: {  	s28 =	sadd.s32 $0x16380, s25  }
0x58: {  	[sflag:s18] =	ssyncadd.s32 $0xFFFFB800;
	s29 =	smov.u32 s26;
	s30 =	sadd.s32 $0x200, s26  }
0x59: {  	[tilespmem:s22], [sflag:$0x1] =	stream.indirect.gather [hbm4b:s3+s21], $0x90, s28, s21, $0xb8;
	[tilespmem:$0x1C080] =	vst v63  }
0x5a: {  	p1 =	sne.s32 s26, $0x2800;
	_ =	swait.ge [sflag:s23], $0x4800  }
.Ltmp6:
0x5b: {  	[sflag:s23] =	ssyncset.done $0x0;
	(pc) =	sbr.rel @p1 .LBB2_3-.Ltmp6, $4  }
0x5c: {  	s25 =	sadd.s32 $0x16E00, s25;
	[sflag:s23] =	ssyncadd.s32 $0xFFFFB800  }
0x5d: {  	[spmem:s1] =	stream.indirect.scatter.add.f32 [tilespmem:s22], [sflag:$0x2], $0x90, s25, s21, $0xb8;
	[tilespmem:$0x1C080] =	vst v63  }
0x5e: {  	_ =	swait.ge [sflag:s18], $0x4800  }
0x5f: {  	s26 =	smov.u32 s30;
	s25 =	sshra.s32 s29, $0x2;
	[sflag:s18] =	ssyncset.done $0x0  }
0x60: {  	s26 =	sadd.s32 $0x16380, s25;
	[sflag:s18] =	ssyncadd.s32 $0xFFFFB800  }
0x61: {  	[tilespmem:s22], [sflag:$0x1] =	stream.indirect.gather [hbm4b:s3+s21], $0x90, s26, s21, $0xb8;
	[tilespmem:$0x1C080] =	vst v63  }
0x62: {  	s24 =	sadd.s32 $0x1, s24;
	_ =	swait.ge [sflag:s23], $0x4800  }
0x63: {  	p1 =	seq.s32 s24, $0x7;
	[sflag:s23] =	ssyncset.done $0x0  }
.Ltmp7:
0x64: {  	s31 =	sadd.s32 $0x16E00, s25;
	[sflag:s23] =	ssyncadd.s32 $0xFFFFB800;
	(pc) =	sbr.rel @!p1 .LBB2_2-.Ltmp7, $4  }
0x65: {  	[spmem:s1] =	stream.indirect.scatter.add.f32 [tilespmem:s22], [sflag:$0x2], $0x90, s31, s21, $0xb8;
	[tilespmem:$0x1C080] =	vst v63  }
0x66: {  	_ =	swait.ge [sflag:s18], $0x4800  }
0x67: {  	[sflag:s18] =	ssyncset.done $0x0  }
0x68: {  	[sflag:s18] =	ssyncadd.s32 $0xFFFFB800  }
.Ltmp8:
0x69: {  	(pc) =	sbr.rel .LBB2_10-.Ltmp8, $2  }
0x6a: {  	_ =	sdelay $0x2  }
0x6b: {  	s24 =	smov.u32 s11  }
.LBB2_11:
0x6c: {  	_ =	sfence.sel $0x180000  }
0x6d: {  	[bflag:$0x0] =	sbarrier.arrive $0xFFFF  }
0x6e: {  	p0 =	sne.s32 s6, $0x0;
	_ =	strace $0x90000047  }
0x6f: {  	s0 =	sadd.s32 @!p0 $0x100000, s0;
	[bflag:$0x2] =	sbarrier.arrive $0xFFFF  }
0x70: {  	[sflag:s0] =	ssyncadd.tile.s32 @!p0 $0x1;
	_ =	shalt  }
.Lfunc_end2:
_tile_overlayer_lowered:
.L_overlay_start_2:
0x71: {  	(tag) =	ssettag $0x2  }
0x72: {  	s0 =	rddreg [dreg:$0x0];
	s2 =	stileid.u32  }
0x73: {  	s1 =	rddreg [dreg:$0x1];
	p0 =	sne.s32 s2, $0x0  }
0x74: {  	s3 =	rddreg [dreg:$0x2];
	[bflag:$0x3] =	sbarrier.arrive $0xFFFF;
	s2 =	simm.s32 @!p0 $0x1C02  }
0x75: {  	[timem:s3], [sflag:s2] =	dma.local @!p0 [hbm:s0], s1  }
0x76: {  	s0 =	simm.s32 @!p0 $0x2  }
0x77: {  	_ =	swait.ge @!p0 [sflag:s0], s1  }
0x78: {  	s1 =	ssub.s32 @!p0 $0x0, s1;
	[sflag:s0] =	ssyncset.done @!p0 $0x0  }
0x79: {  	[sflag:s0] =	ssyncadd.s32 @!p0 s1  }
0x7a: {  	[bflag:$0x3] =	sbarrier.arrive $0xFFFF  }
0x7b: {  	_ =	shalt  }

</sc_bundles>
